<compile_context>
chip_gen: v7x
topology: tpu7x:2x2x1
jax: 0.10.2.dev20260603
libtpu: 0.0.44.dev20260713+nightly
codegen_flags: <defaults>
</compile_context>

<pallas_src>
import dataclasses

import jax
import jax.numpy as jnp
from jax import lax
from jax.experimental import pallas as pl
from jax.experimental.pallas import tpu as pltpu
from jax.experimental.pallas import tpu_sc as plsc

DIM = 128
LANES = 16
CHUNK = 64


def _make_sc_kernel(batch, num_nodes):
    info = plsc.get_sparse_core_info()
    nc, ns = info.num_cores, info.num_subcores
    nw = nc * ns
    bpw = batch // nw
    nchunk = bpw // CHUNK
    assert bpw * nw == batch and nchunk * CHUNK == bpw

    mesh = plsc.VectorSubcoreMesh(core_axis_name="c", subcore_axis_name="s")

    def body(src_idx_hbm, dst_idx_hbm, in_emb_hbm, out_emb_hbm, out_hbm,
             idx_s, idx_d, srcb, dstb, outv, sem):
        wid = lax.axis_index("s") * nc + lax.axis_index("c")
        base = wid * bpw
        ci = pltpu.async_copy(src_idx_hbm.at[pl.ds(base, bpw)], idx_s,
                              sem.at[0])
        cd = pltpu.async_copy(dst_idx_hbm.at[pl.ds(base, bpw)], idx_d,
                              sem.at[1])
        ci.wait()
        cd.wait()

        def start(c, slot):
            pltpu.async_copy(
                in_emb_hbm.at[idx_s.at[pl.ds(c * CHUNK, CHUNK)]],
                srcb.at[slot], sem.at[slot])
            pltpu.async_copy(
                out_emb_hbm.at[idx_d.at[pl.ds(c * CHUNK, CHUNK)]],
                dstb.at[slot], sem.at[slot])

        lane = lax.iota(jnp.int32, LANES)
        nslice = DIM // LANES
        bitrev8 = [0, 4, 2, 6, 1, 5, 3, 7]

        shuf_dnums = lax.GatherDimensionNumbers(
            offset_dims=(), collapsed_slice_dims=(0,), start_index_map=(0,))

        def shuf_idx(v, idxv):
            return lax.gather(v, idxv[:, None], shuf_dnums,
                              slice_sizes=(1,),
                              mode=lax.GatherScatterMode.PROMISE_IN_BOUNDS)

        def shuf(v, k):
            return shuf_idx(v, lane ^ k)

        def merge(a, b, k):
            m = (lane & k) == 0
            j1 = jnp.where(m, a, shuf(b, k))
            j2 = jnp.where(m, shuf(a, k), b)
            return j1 + j2

        even_lane = (lane & 1) == 0
        quad_lane = (lane & 3) == 0
        oct_lane = (lane & 7) == 0

        def row_partial(sref, dref, r):
            prods = [sref[r, pl.ds(k * LANES, LANES)]
                     * dref[r, pl.ds(k * LANES, LANES)]
                     for k in range(nslice)]
            while len(prods) > 1:
                prods = [prods[i] + prods[i + 1]
                         for i in range(0, len(prods), 2)]
            return prods[0]

        def tree8(sref, dref, r0):
            stack = []
            for idx in range(8):
                v, k, t = row_partial(sref, dref, r0 + bitrev8[idx]), 8, idx
                while t & 1:
                    v = merge(stack.pop(), v, k)
                    k >>= 1
                    t >>= 1
                stack.append(v)
            v = stack[0]
            return v + shuf(v, 1)

        def tree4(sref, dref, r0):
            a = merge(row_partial(sref, dref, r0),
                      row_partial(sref, dref, r0 + 2), 8)
            b = merge(row_partial(sref, dref, r0 + 1),
                      row_partial(sref, dref, r0 + 3), 8)
            v = merge(a, b, 4)
            v = v + shuf(v, 2)
            return v + shuf(v, 1)

        def compute_chunk(slot, c):
            sref = srcb.at[slot]
            dref = dstb.at[slot]

            @pl.loop(0, CHUNK, step=4)
            def _(r0):
                va = tree4(sref, dref, r0)
                plsc.store_compressed(outv.at[pl.ds(c * CHUNK + r0, LANES)],
                                      va, mask=quad_lane)

        start(0, 0)
        start(1, 1)

        @pl.loop(0, nchunk)
        def _(c):
            s = c & 3
            pltpu.make_async_copy(in_emb_hbm.at[pl.ds(0, CHUNK)],
                                  srcb.at[s], sem.at[s]).wait()
            pltpu.make_async_copy(out_emb_hbm.at[pl.ds(0, CHUNK)],
                                  dstb.at[s], sem.at[s]).wait()

            @pl.when(c + 2 < nchunk)
            def _():
                start(c + 2, (c + 2) & 3)

            compute_chunk(s, c)

        pltpu.sync_copy(outv.at[pl.ds(0, bpw)], out_hbm.at[pl.ds(base, bpw)])

    cp = pltpu.CompilerParams()
    if "needs_layout_passes" in pltpu.CompilerParams.__dataclass_fields__:
        cp = dataclasses.replace(cp, needs_layout_passes=False)

    return pl.kernel(
        body,
        out_type=jax.ShapeDtypeStruct((batch,), jnp.float32),
        mesh=mesh,
        compiler_params=cp,
        scratch_types=[
            pltpu.VMEM((bpw,), jnp.int32),
            pltpu.VMEM((bpw,), jnp.int32),
            pltpu.VMEM((4, CHUNK, DIM), jnp.float32),
            pltpu.VMEM((4, CHUNK, DIM), jnp.float32),
            pltpu.VMEM((bpw + LANES,), jnp.float32),
            pltpu.SemaphoreType.DMA((4,)),
        ],
    )


def kernel(src_idx, dst_idx, in_emb, out_emb):
    batch = src_idx.shape[0]
    num_nodes = in_emb.shape[0]
    sc = _make_sc_kernel(batch, num_nodes)
    return sc(src_idx.astype(jnp.int32), dst_idx.astype(jnp.int32),
              in_emb, out_emb)

# --- scband reference (transcript-rebuilt; emitter-appended) ---
"""Pipeline reference for scband-directed-deep-walk-model-7962869367134 (READ-ONLY COPY).

The authoritative reference and input builder live on the scoring server;
editing this copy changes nothing except your own understanding.
"""

import jax, jax.numpy as jnp
import numpy as np

NUM_NODES = 100000
DIM = 128
BATCH = 16384

def setup_inputs(seed: int = 0) -> dict:
    key = jax.random.key(seed)
    k1, k2, k3, k4 = jax.random.split(key, 4)
    src_idx = jax.random.randint(k1, (BATCH,), 0, NUM_NODES, dtype=jnp.int64 if jax.config.jax_enable_x64 else jnp.int32)
    dst_idx = jax.random.randint(k2, (BATCH,), 0, NUM_NODES, dtype=jnp.int64 if jax.config.jax_enable_x64 else jnp.int32)
    init_range = 0.5
    in_emb = jax.random.uniform(k3, (NUM_NODES, DIM), dtype=jnp.float32, minval=-init_range, maxval=init_range)
    out_emb = jax.random.uniform(k4, (NUM_NODES, DIM), dtype=jnp.float32, minval=-init_range, maxval=init_range)
    return {"src_idx": src_idx, "dst_idx": dst_idx, "in_emb": in_emb, "out_emb": out_emb}

def reference(src_idx, dst_idx, in_emb, out_emb):
    # src = self.in_emb(src_idx); dst = self.out_emb(dst_idx)
    src = jnp.take(in_emb, src_idx, axis=0)
    dst = jnp.take(out_emb, dst_idx, axis=0)
    # (src * dst).sum(dim=-1)
    return (src * dst).sum(axis=-1)

if __name__ == "__main__":
    import jax
    _d = setup_inputs()
    print(jax.jit(kernel)(*tuple(_d.values())))

</pallas_src>

<mosaic_0001>
#map = affine_map<(d0, d1) -> (0)>
#map1 = affine_map<(d0, d1) -> (0, 0)>
module attributes {stable_mosaic.version = 14 : i64} {
  func.func @body(%arg0: i32, %arg1: i32, %arg2: memref<16384xi32, #tpu.memory_space<hbm>>, %arg3: memref<16384xi32, #tpu.memory_space<hbm>>, %arg4: memref<100000x128xf32, #tpu.memory_space<hbm>>, %arg5: memref<100000x128xf32, #tpu.memory_space<hbm>>, %arg6: memref<16384xf32, #tpu.memory_space<hbm>>, %arg7: memref<512xi32, #tpu.memory_space<vmem>>, %arg8: memref<512xi32, #tpu.memory_space<vmem>>, %arg9: memref<4x64x128xf32, #tpu.memory_space<vmem>>, %arg10: memref<4x64x128xf32, #tpu.memory_space<vmem>>, %arg11: memref<528xf32, #tpu.memory_space<vmem>>, %arg12: memref<4x!tpu.dma_semaphore, #tpu.memory_space<semaphore_mem>>) attributes {dimension_semantics = [#tpu.dimension_semantics<core_parallel>, #tpu.dimension_semantics<subcore_parallel>], iteration_bounds = array<i64: 2, 16>, scalar_prefetch = 0 : i64, scratch_operands = 6 : i64, tpu.core_type = #tpu.core_type<sc_vector_subcore>, window_params = [{transform_indices = #map}, {transform_indices = #map}, {transform_indices = #map1}, {transform_indices = #map1}, {transform_indices = #map}]} {
    %mul3A = arith.constant 2 : i32
    %mul3A_0 = arith.muli %arg1, %mul3A : i32
    %add3A = arith.addi %mul3A_0, %arg0 : i32
    %mul3A_1 = arith.constant 512 : i32
    %mul3A_2 = arith.muli %add3A, %mul3A_1 : i32
    %dma_start3A = arith.constant 0 : i32
    %dma_start3A_3 = tpu.memref_slice %arg2[%mul3A_2] : memref<16384xi32, #tpu.memory_space<hbm>> -> memref<512xi32, #tpu.memory_space<hbm>>
    %dma_start3A_4 = tpu.memref_slice %arg12[%dma_start3A] : memref<4x!tpu.dma_semaphore, #tpu.memory_space<semaphore_mem>> -> memref<1x!tpu.dma_semaphore, #tpu.memory_space<semaphore_mem>>
    %dma_start3A_5 = tpu.memref_squeeze %dma_start3A_4 : memref<1x!tpu.dma_semaphore, #tpu.memory_space<semaphore_mem>> -> memref<!tpu.dma_semaphore, #tpu.memory_space<semaphore_mem>>
    %dma_start3A_6 = tpu.memref_slice %arg2[%mul3A_2] : memref<16384xi32, #tpu.memory_space<hbm>> -> memref<512xi32, #tpu.memory_space<hbm>>
    tpu.enqueue_dma source(%dma_start3A_6 : memref<512xi32, #tpu.memory_space<hbm>>) target(%arg7 : memref<512xi32, #tpu.memory_space<vmem>>) target_semaphore(%dma_start3A_5 : memref<!tpu.dma_semaphore, #tpu.memory_space<semaphore_mem>>)
    %dma_start3A_7 = arith.constant 1 : i32
    %dma_start3A_8 = tpu.memref_slice %arg3[%mul3A_2] : memref<16384xi32, #tpu.memory_space<hbm>> -> memref<512xi32, #tpu.memory_space<hbm>>
    %dma_start3A_9 = tpu.memref_slice %arg12[%dma_start3A_7] : memref<4x!tpu.dma_semaphore, #tpu.memory_space<semaphore_mem>> -> memref<1x!tpu.dma_semaphore, #tpu.memory_space<semaphore_mem>>
    %dma_start3A_10 = tpu.memref_squeeze %dma_start3A_9 : memref<1x!tpu.dma_semaphore, #tpu.memory_space<semaphore_mem>> -> memref<!tpu.dma_semaphore, #tpu.memory_space<semaphore_mem>>
    %dma_start3A_11 = tpu.memref_slice %arg3[%mul3A_2] : memref<16384xi32, #tpu.memory_space<hbm>> -> memref<512xi32, #tpu.memory_space<hbm>>
    tpu.enqueue_dma source(%dma_start3A_11 : memref<512xi32, #tpu.memory_space<hbm>>) target(%arg8 : memref<512xi32, #tpu.memory_space<vmem>>) target_semaphore(%dma_start3A_10 : memref<!tpu.dma_semaphore, #tpu.memory_space<semaphore_mem>>)
    %dma_wait3A = arith.constant 0 : i32
    %dma_wait3A_12 = tpu.memref_slice %arg2[%mul3A_2] : memref<16384xi32, #tpu.memory_space<hbm>> -> memref<512xi32, #tpu.memory_space<hbm>>
    %dma_wait3A_13 = tpu.memref_slice %arg12[%dma_wait3A] : memref<4x!tpu.dma_semaphore, #tpu.memory_space<semaphore_mem>> -> memref<1x!tpu.dma_semaphore, #tpu.memory_space<semaphore_mem>>
    %dma_wait3A_14 = tpu.memref_squeeze %dma_wait3A_13 : memref<1x!tpu.dma_semaphore, #tpu.memory_space<semaphore_mem>> -> memref<!tpu.dma_semaphore, #tpu.memory_space<semaphore_mem>>
    %dma_wait3A_15 = tpu.memref_slice %arg2[%mul3A_2] : memref<16384xi32, #tpu.memory_space<hbm>> -> memref<512xi32, #tpu.memory_space<hbm>>
    tpu.wait_dma2 semaphore(%dma_wait3A_14 : memref<!tpu.dma_semaphore, #tpu.memory_space<semaphore_mem>>) src(%dma_wait3A_15 : memref<512xi32, #tpu.memory_space<hbm>>) dst(%arg7 : memref<512xi32, #tpu.memory_space<vmem>>)
    %dma_wait3A_16 = arith.constant 1 : i32
    %dma_wait3A_17 = tpu.memref_slice %arg3[%mul3A_2] : memref<16384xi32, #tpu.memory_space<hbm>> -> memref<512xi32, #tpu.memory_space<hbm>>
    %dma_wait3A_18 = tpu.memref_slice %arg12[%dma_wait3A_16] : memref<4x!tpu.dma_semaphore, #tpu.memory_space<semaphore_mem>> -> memref<1x!tpu.dma_semaphore, #tpu.memory_space<semaphore_mem>>
    %dma_wait3A_19 = tpu.memref_squeeze %dma_wait3A_18 : memref<1x!tpu.dma_semaphore, #tpu.memory_space<semaphore_mem>> -> memref<!tpu.dma_semaphore, #tpu.memory_space<semaphore_mem>>
    %dma_wait3A_20 = tpu.memref_slice %arg3[%mul3A_2] : memref<16384xi32, #tpu.memory_space<hbm>> -> memref<512xi32, #tpu.memory_space<hbm>>
    tpu.wait_dma2 semaphore(%dma_wait3A_19 : memref<!tpu.dma_semaphore, #tpu.memory_space<semaphore_mem>>) src(%dma_wait3A_20 : memref<512xi32, #tpu.memory_space<hbm>>) dst(%arg8 : memref<512xi32, #tpu.memory_space<vmem>>)
    %iota3A = tpu.iota {dimensions = array<i32: 0>} : vector<16xi32>
    %and3A = arith.constant 1 : i32
    %and3A_21 = vector.broadcast %and3A : i32 to vector<16xi32>
    %and3A_22 = arith.andi %iota3A, %and3A_21 : vector<16xi32>
    %eq3A = arith.constant 0 : i32
    %eq3A_23 = vector.broadcast %eq3A : i32 to vector<16xi32>
    %eq3A_24 = arith.cmpi eq, %and3A_22, %eq3A_23 : vector<16xi32>
    %and3A_25 = arith.constant 3 : i32
    %and3A_26 = vector.broadcast %and3A_25 : i32 to vector<16xi32>
    %and3A_27 = arith.andi %iota3A, %and3A_26 : vector<16xi32>
    %eq3A_28 = arith.constant 0 : i32
    %eq3A_29 = vector.broadcast %eq3A_28 : i32 to vector<16xi32>
    %eq3A_30 = arith.cmpi eq, %and3A_27, %eq3A_29 : vector<16xi32>
    %and3A_31 = arith.constant 7 : i32
    %and3A_32 = vector.broadcast %and3A_31 : i32 to vector<16xi32>
    %and3A_33 = arith.andi %iota3A, %and3A_32 : vector<16xi32>
    %eq3A_34 = arith.constant 0 : i32
    %eq3A_35 = vector.broadcast %eq3A_34 : i32 to vector<16xi32>
    %eq3A_36 = arith.cmpi eq, %and3A_33, %eq3A_35 : vector<16xi32>
    %dma_start3A_37 = arith.constant 0 : i32
    %dma_start3A_38 = arith.constant 0 : i32
    %dma_start3A_39 = arith.constant 0 : i32
    %dma_start3A_40 = arith.constant 0 : i32
    %dma_start3A_41 = tpu.memref_slice %arg9[%dma_start3A_37, %dma_start3A_39, %dma_start3A_40] : memref<4x64x128xf32, #tpu.memory_space<vmem>> -> memref<1x64x128xf32, #tpu.memory_space<vmem>>
    %dma_start3A_42 = tpu.memref_squeeze %dma_start3A_41 : memref<1x64x128xf32, #tpu.memory_space<vmem>> -> memref<64x128xf32, #tpu.memory_space<vmem>>
    %dma_start3A_43 = arith.constant 0 : i32
    %dma_start3A_44 = tpu.memref_slice %arg7[%dma_start3A_43] : memref<512xi32, #tpu.memory_space<vmem>> -> memref<64xi32, #tpu.memory_space<vmem>>
    %dma_start3A_45 = arith.constant 0 : i32
    %dma_start3A_46 = arith.constant 0 : i32
    %dma_start3A_47 = tpu.memref_slice %arg4[%dma_start3A_45, %dma_start3A_46] : memref<100000x128xf32, #tpu.memory_space<hbm>> -> memref<100000x128xf32, #tpu.memory_space<hbm>>
    %dma_start3A_48 = tpu.memref_slice %arg12[%dma_start3A_38] : memref<4x!tpu.dma_semaphore, #tpu.memory_space<semaphore_mem>> -> memref<1x!tpu.dma_semaphore, #tpu.memory_space<semaphore_mem>>
    %dma_start3A_49 = tpu.memref_squeeze %dma_start3A_48 : memref<1x!tpu.dma_semaphore, #tpu.memory_space<semaphore_mem>> -> memref<!tpu.dma_semaphore, #tpu.memory_space<semaphore_mem>>
    tpu.enqueue_indirect_dma source(%dma_start3A_47 : memref<100000x128xf32, #tpu.memory_space<hbm>>) target(%dma_start3A_42 : memref<64x128xf32, #tpu.memory_space<vmem>>) offsets(%dma_start3A_44 : memref<64xi32, #tpu.memory_space<vmem>>) semaphore(%dma_start3A_49 : memref<!tpu.dma_semaphore, #tpu.memory_space<semaphore_mem>>)
    %dma_start3A_50 = arith.constant 0 : i32
    %dma_start3A_51 = arith.constant 0 : i32
    %dma_start3A_52 = arith.constant 0 : i32
    %dma_start3A_53 = arith.constant 0 : i32
    %dma_start3A_54 = tpu.memref_slice %arg10[%dma_start3A_50, %dma_start3A_52, %dma_start3A_53] : memref<4x64x128xf32, #tpu.memory_space<vmem>> -> memref<1x64x128xf32, #tpu.memory_space<vmem>>
    %dma_start3A_55 = tpu.memref_squeeze %dma_start3A_54 : memref<1x64x128xf32, #tpu.memory_space<vmem>> -> memref<64x128xf32, #tpu.memory_space<vmem>>
    %dma_start3A_56 = arith.constant 0 : i32
    %dma_start3A_57 = tpu.memref_slice %arg8[%dma_start3A_56] : memref<512xi32, #tpu.memory_space<vmem>> -> memref<64xi32, #tpu.memory_space<vmem>>
    %dma_start3A_58 = arith.constant 0 : i32
    %dma_start3A_59 = arith.constant 0 : i32
    %dma_start3A_60 = tpu.memref_slice %arg5[%dma_start3A_58, %dma_start3A_59] : memref<100000x128xf32, #tpu.memory_space<hbm>> -> memref<100000x128xf32, #tpu.memory_space<hbm>>
    %dma_start3A_61 = tpu.memref_slice %arg12[%dma_start3A_51] : memref<4x!tpu.dma_semaphore, #tpu.memory_space<semaphore_mem>> -> memref<1x!tpu.dma_semaphore, #tpu.memory_space<semaphore_mem>>
    %dma_start3A_62 = tpu.memref_squeeze %dma_start3A_61 : memref<1x!tpu.dma_semaphore, #tpu.memory_space<semaphore_mem>> -> memref<!tpu.dma_semaphore, #tpu.memory_space<semaphore_mem>>
    tpu.enqueue_indirect_dma source(%dma_start3A_60 : memref<100000x128xf32, #tpu.memory_space<hbm>>) target(%dma_start3A_55 : memref<64x128xf32, #tpu.memory_space<vmem>>) offsets(%dma_start3A_57 : memref<64xi32, #tpu.memory_space<vmem>>) semaphore(%dma_start3A_62 : memref<!tpu.dma_semaphore, #tpu.memory_space<semaphore_mem>>)
    %dma_start3A_63 = arith.constant 1 : i32
    %dma_start3A_64 = arith.constant 1 : i32
    %dma_start3A_65 = arith.constant 0 : i32
    %dma_start3A_66 = arith.constant 0 : i32
    %dma_start3A_67 = tpu.memref_slice %arg9[%dma_start3A_63, %dma_start3A_65, %dma_start3A_66] : memref<4x64x128xf32, #tpu.memory_space<vmem>> -> memref<1x64x128xf32, #tpu.memory_space<vmem>>
    %dma_start3A_68 = tpu.memref_squeeze %dma_start3A_67 : memref<1x64x128xf32, #tpu.memory_space<vmem>> -> memref<64x128xf32, #tpu.memory_space<vmem>>
    %dma_start3A_69 = arith.constant 64 : i32
    %dma_start3A_70 = tpu.memref_slice %arg7[%dma_start3A_69] : memref<512xi32, #tpu.memory_space<vmem>> -> memref<64xi32, #tpu.memory_space<vmem>>
    %dma_start3A_71 = arith.constant 0 : i32
    %dma_start3A_72 = arith.constant 0 : i32
    %dma_start3A_73 = tpu.memref_slice %arg4[%dma_start3A_71, %dma_start3A_72] : memref<100000x128xf32, #tpu.memory_space<hbm>> -> memref<100000x128xf32, #tpu.memory_space<hbm>>
    %dma_start3A_74 = tpu.memref_slice %arg12[%dma_start3A_64] : memref<4x!tpu.dma_semaphore, #tpu.memory_space<semaphore_mem>> -> memref<1x!tpu.dma_semaphore, #tpu.memory_space<semaphore_mem>>
    %dma_start3A_75 = tpu.memref_squeeze %dma_start3A_74 : memref<1x!tpu.dma_semaphore, #tpu.memory_space<semaphore_mem>> -> memref<!tpu.dma_semaphore, #tpu.memory_space<semaphore_mem>>
    tpu.enqueue_indirect_dma source(%dma_start3A_73 : memref<100000x128xf32, #tpu.memory_space<hbm>>) target(%dma_start3A_68 : memref<64x128xf32, #tpu.memory_space<vmem>>) offsets(%dma_start3A_70 : memref<64xi32, #tpu.memory_space<vmem>>) semaphore(%dma_start3A_75 : memref<!tpu.dma_semaphore, #tpu.memory_space<semaphore_mem>>)
    %dma_start3A_76 = arith.constant 1 : i32
    %dma_start3A_77 = arith.constant 1 : i32
    %dma_start3A_78 = arith.constant 0 : i32
    %dma_start3A_79 = arith.constant 0 : i32
    %dma_start3A_80 = tpu.memref_slice %arg10[%dma_start3A_76, %dma_start3A_78, %dma_start3A_79] : memref<4x64x128xf32, #tpu.memory_space<vmem>> -> memref<1x64x128xf32, #tpu.memory_space<vmem>>
    %dma_start3A_81 = tpu.memref_squeeze %dma_start3A_80 : memref<1x64x128xf32, #tpu.memory_space<vmem>> -> memref<64x128xf32, #tpu.memory_space<vmem>>
    %dma_start3A_82 = arith.constant 64 : i32
    %dma_start3A_83 = tpu.memref_slice %arg8[%dma_start3A_82] : memref<512xi32, #tpu.memory_space<vmem>> -> memref<64xi32, #tpu.memory_space<vmem>>
    %dma_start3A_84 = arith.constant 0 : i32
    %dma_start3A_85 = arith.constant 0 : i32
    %dma_start3A_86 = tpu.memref_slice %arg5[%dma_start3A_84, %dma_start3A_85] : memref<100000x128xf32, #tpu.memory_space<hbm>> -> memref<100000x128xf32, #tpu.memory_space<hbm>>
    %dma_start3A_87 = tpu.memref_slice %arg12[%dma_start3A_77] : memref<4x!tpu.dma_semaphore, #tpu.memory_space<semaphore_mem>> -> memref<1x!tpu.dma_semaphore, #tpu.memory_space<semaphore_mem>>
    %dma_start3A_88 = tpu.memref_squeeze %dma_start3A_87 : memref<1x!tpu.dma_semaphore, #tpu.memory_space<semaphore_mem>> -> memref<!tpu.dma_semaphore, #tpu.memory_space<semaphore_mem>>
    tpu.enqueue_indirect_dma source(%dma_start3A_86 : memref<100000x128xf32, #tpu.memory_space<hbm>>) target(%dma_start3A_81 : memref<64x128xf32, #tpu.memory_space<vmem>>) offsets(%dma_start3A_83 : memref<64xi32, #tpu.memory_space<vmem>>) semaphore(%dma_start3A_88 : memref<!tpu.dma_semaphore, #tpu.memory_space<semaphore_mem>>)
    %scan3A = arith.constant 0 : i32
    %scan3A_89 = arith.constant 8 : i32
    %scan3A_90 = arith.addi %scan3A, %scan3A_89 : i32
    %scan3A_91 = arith.constant 1 : i32
    scf.for %scan3A_93 = %scan3A to %scan3A_90 step %scan3A_91  : i32 {
      %mul3A_94 = arith.constant 1 : i32
      %mul3A_95 = arith.muli %scan3A_93, %mul3A_94 : i32
      %add3A_96 = arith.constant 0 : i32
      %add3A_97 = arith.addi %add3A_96, %mul3A_95 : i32
      %and3A_98 = arith.constant 3 : i32
      %and3A_99 = arith.andi %add3A_97, %and3A_98 : i32
      %dma_wait3A_100 = arith.constant 0 : i32
      %dma_wait3A_101 = arith.constant 0 : i32
      %dma_wait3A_102 = tpu.memref_slice %arg9[%and3A_99, %dma_wait3A_100, %dma_wait3A_101] : memref<4x64x128xf32, #tpu.memory_space<vmem>> -> memref<1x64x128xf32, #tpu.memory_space<vmem>>
      %dma_wait3A_103 = tpu.memref_squeeze %dma_wait3A_102 : memref<1x64x128xf32, #tpu.memory_space<vmem>> -> memref<64x128xf32, #tpu.memory_space<vmem>>
      %dma_wait3A_104 = arith.constant 0 : i32
      %dma_wait3A_105 = arith.constant 0 : i32
      %dma_wait3A_106 = tpu.memref_slice %arg4[%dma_wait3A_104, %dma_wait3A_105] : memref<100000x128xf32, #tpu.memory_space<hbm>> -> memref<64x128xf32, #tpu.memory_space<hbm>>
      %dma_wait3A_107 = tpu.memref_slice %arg12[%and3A_99] : memref<4x!tpu.dma_semaphore, #tpu.memory_space<semaphore_mem>> -> memref<1x!tpu.dma_semaphore, #tpu.memory_space<semaphore_mem>>
      %dma_wait3A_108 = tpu.memref_squeeze %dma_wait3A_107 : memref<1x!tpu.dma_semaphore, #tpu.memory_space<semaphore_mem>> -> memref<!tpu.dma_semaphore, #tpu.memory_space<semaphore_mem>>
      %dma_wait3A_109 = arith.constant 0 : i32
      %dma_wait3A_110 = arith.constant 0 : i32
      %dma_wait3A_111 = tpu.memref_slice %arg9[%and3A_99, %dma_wait3A_109, %dma_wait3A_110] : memref<4x64x128xf32, #tpu.memory_space<vmem>> -> memref<1x64x128xf32, #tpu.memory_space<vmem>>
      %dma_wait3A_112 = tpu.memref_squeeze %dma_wait3A_111 : memref<1x64x128xf32, #tpu.memory_space<vmem>> -> memref<64x128xf32, #tpu.memory_space<vmem>>
      %dma_wait3A_113 = arith.constant 0 : i32
      %dma_wait3A_114 = arith.constant 0 : i32
      %dma_wait3A_115 = tpu.memref_slice %arg4[%dma_wait3A_113, %dma_wait3A_114] : memref<100000x128xf32, #tpu.memory_space<hbm>> -> memref<64x128xf32, #tpu.memory_space<hbm>>
      tpu.wait_dma2 semaphore(%dma_wait3A_108 : memref<!tpu.dma_semaphore, #tpu.memory_space<semaphore_mem>>) src(%dma_wait3A_115 : memref<64x128xf32, #tpu.memory_space<hbm>>) dst(%dma_wait3A_112 : memref<64x128xf32, #tpu.memory_space<vmem>>)
      %dma_wait3A_116 = arith.constant 0 : i32
      %dma_wait3A_117 = arith.constant 0 : i32
      %dma_wait3A_118 = tpu.memref_slice %arg10[%and3A_99, %dma_wait3A_116, %dma_wait3A_117] : memref<4x64x128xf32, #tpu.memory_space<vmem>> -> memref<1x64x128xf32, #tpu.memory_space<vmem>>
      %dma_wait3A_119 = tpu.memref_squeeze %dma_wait3A_118 : memref<1x64x128xf32, #tpu.memory_space<vmem>> -> memref<64x128xf32, #tpu.memory_space<vmem>>
      %dma_wait3A_120 = arith.constant 0 : i32
      %dma_wait3A_121 = arith.constant 0 : i32
      %dma_wait3A_122 = tpu.memref_slice %arg5[%dma_wait3A_120, %dma_wait3A_121] : memref<100000x128xf32, #tpu.memory_space<hbm>> -> memref<64x128xf32, #tpu.memory_space<hbm>>
      %dma_wait3A_123 = tpu.memref_slice %arg12[%and3A_99] : memref<4x!tpu.dma_semaphore, #tpu.memory_space<semaphore_mem>> -> memref<1x!tpu.dma_semaphore, #tpu.memory_space<semaphore_mem>>
      %dma_wait3A_124 = tpu.memref_squeeze %dma_wait3A_123 : memref<1x!tpu.dma_semaphore, #tpu.memory_space<semaphore_mem>> -> memref<!tpu.dma_semaphore, #tpu.memory_space<semaphore_mem>>
      %dma_wait3A_125 = arith.constant 0 : i32
      %dma_wait3A_126 = arith.constant 0 : i32
      %dma_wait3A_127 = tpu.memref_slice %arg10[%and3A_99, %dma_wait3A_125, %dma_wait3A_126] : memref<4x64x128xf32, #tpu.memory_space<vmem>> -> memref<1x64x128xf32, #tpu.memory_space<vmem>>
      %dma_wait3A_128 = tpu.memref_squeeze %dma_wait3A_127 : memref<1x64x128xf32, #tpu.memory_space<vmem>> -> memref<64x128xf32, #tpu.memory_space<vmem>>
      %dma_wait3A_129 = arith.constant 0 : i32
      %dma_wait3A_130 = arith.constant 0 : i32
      %dma_wait3A_131 = tpu.memref_slice %arg5[%dma_wait3A_129, %dma_wait3A_130] : memref<100000x128xf32, #tpu.memory_space<hbm>> -> memref<64x128xf32, #tpu.memory_space<hbm>>
      tpu.wait_dma2 semaphore(%dma_wait3A_124 : memref<!tpu.dma_semaphore, #tpu.memory_space<semaphore_mem>>) src(%dma_wait3A_131 : memref<64x128xf32, #tpu.memory_space<hbm>>) dst(%dma_wait3A_128 : memref<64x128xf32, #tpu.memory_space<vmem>>)
      %add3A_132 = arith.constant 2 : i32
      %add3A_133 = arith.addi %add3A_97, %add3A_132 : i32
      %lt3A = arith.constant 8 : i32
      %lt3A_134 = arith.cmpi slt, %add3A_133, %lt3A : i32
      %convert_element_type3A = arith.extui %lt3A_134 : i1 to i32
      %cond3A = arith.constant 0 : i32
      %cond3A_135 = arith.cmpi ne, %convert_element_type3A, %cond3A : i32
      scf.if %cond3A_135 {
        %add3A_141 = arith.constant 2 : i32
        %add3A_142 = arith.addi %add3A_97, %add3A_141 : i32
        %add3A_143 = arith.constant 2 : i32
        %add3A_144 = arith.addi %add3A_97, %add3A_143 : i32
        %and3A_145 = arith.constant 3 : i32
        %and3A_146 = arith.andi %add3A_144, %and3A_145 : i32
        %mul3A_147 = arith.constant 64 : i32
        %mul3A_148 = arith.muli %add3A_142, %mul3A_147 : i32
        %dma_start3A_149 = arith.constant 0 : i32
        %dma_start3A_150 = arith.constant 0 : i32
        %dma_start3A_151 = tpu.memref_slice %arg9[%and3A_146, %dma_start3A_149, %dma_start3A_150] : memref<4x64x128xf32, #tpu.memory_space<vmem>> -> memref<1x64x128xf32, #tpu.memory_space<vmem>>
        %dma_start3A_152 = tpu.memref_squeeze %dma_start3A_151 : memref<1x64x128xf32, #tpu.memory_space<vmem>> -> memref<64x128xf32, #tpu.memory_space<vmem>>
        %dma_start3A_153 = tpu.memref_slice %arg7[%mul3A_148] : memref<512xi32, #tpu.memory_space<vmem>> -> memref<64xi32, #tpu.memory_space<vmem>>
        %dma_start3A_154 = arith.constant 0 : i32
        %dma_start3A_155 = arith.constant 0 : i32
        %dma_start3A_156 = tpu.memref_slice %arg4[%dma_start3A_154, %dma_start3A_155] : memref<100000x128xf32, #tpu.memory_space<hbm>> -> memref<100000x128xf32, #tpu.memory_space<hbm>>
        %dma_start3A_157 = tpu.memref_slice %arg12[%and3A_146] : memref<4x!tpu.dma_semaphore, #tpu.memory_space<semaphore_mem>> -> memref<1x!tpu.dma_semaphore, #tpu.memory_space<semaphore_mem>>
        %dma_start3A_158 = tpu.memref_squeeze %dma_start3A_157 : memref<1x!tpu.dma_semaphore, #tpu.memory_space<semaphore_mem>> -> memref<!tpu.dma_semaphore, #tpu.memory_space<semaphore_mem>>
        tpu.enqueue_indirect_dma source(%dma_start3A_156 : memref<100000x128xf32, #tpu.memory_space<hbm>>) target(%dma_start3A_152 : memref<64x128xf32, #tpu.memory_space<vmem>>) offsets(%dma_start3A_153 : memref<64xi32, #tpu.memory_space<vmem>>) semaphore(%dma_start3A_158 : memref<!tpu.dma_semaphore, #tpu.memory_space<semaphore_mem>>)
        %mul3A_159 = arith.constant 64 : i32
        %mul3A_160 = arith.muli %add3A_142, %mul3A_159 : i32
        %dma_start3A_161 = arith.constant 0 : i32
        %dma_start3A_162 = arith.constant 0 : i32
        %dma_start3A_163 = tpu.memref_slice %arg10[%and3A_146, %dma_start3A_161, %dma_start3A_162] : memref<4x64x128xf32, #tpu.memory_space<vmem>> -> memref<1x64x128xf32, #tpu.memory_space<vmem>>
        %dma_start3A_164 = tpu.memref_squeeze %dma_start3A_163 : memref<1x64x128xf32, #tpu.memory_space<vmem>> -> memref<64x128xf32, #tpu.memory_space<vmem>>
        %dma_start3A_165 = tpu.memref_slice %arg8[%mul3A_160] : memref<512xi32, #tpu.memory_space<vmem>> -> memref<64xi32, #tpu.memory_space<vmem>>
        %dma_start3A_166 = arith.constant 0 : i32
        %dma_start3A_167 = arith.constant 0 : i32
        %dma_start3A_168 = tpu.memref_slice %arg5[%dma_start3A_166, %dma_start3A_167] : memref<100000x128xf32, #tpu.memory_space<hbm>> -> memref<100000x128xf32, #tpu.memory_space<hbm>>
        %dma_start3A_169 = tpu.memref_slice %arg12[%and3A_146] : memref<4x!tpu.dma_semaphore, #tpu.memory_space<semaphore_mem>> -> memref<1x!tpu.dma_semaphore, #tpu.memory_space<semaphore_mem>>
        %dma_start3A_170 = tpu.memref_squeeze %dma_start3A_169 : memref<1x!tpu.dma_semaphore, #tpu.memory_space<semaphore_mem>> -> memref<!tpu.dma_semaphore, #tpu.memory_space<semaphore_mem>>
        tpu.enqueue_indirect_dma source(%dma_start3A_168 : memref<100000x128xf32, #tpu.memory_space<hbm>>) target(%dma_start3A_164 : memref<64x128xf32, #tpu.memory_space<vmem>>) offsets(%dma_start3A_165 : memref<64xi32, #tpu.memory_space<vmem>>) semaphore(%dma_start3A_170 : memref<!tpu.dma_semaphore, #tpu.memory_space<semaphore_mem>>)
      } else {
      }
      %scan3A_136 = arith.constant 0 : i32
      %scan3A_137 = arith.constant 16 : i32
      %scan3A_138 = arith.addi %scan3A_136, %scan3A_137 : i32
      %scan3A_139 = arith.constant 1 : i32
      scf.for %scan3A_141 = %scan3A_136 to %scan3A_138 step %scan3A_139  : i32 {
        %mul3A_142 = arith.constant 4 : i32
        %mul3A_143 = arith.muli %scan3A_141, %mul3A_142 : i32
        %add3A_144 = arith.constant 0 : i32
        %add3A_145 = arith.addi %add3A_144, %mul3A_143 : i32
        %get3A = arith.constant 0 : i32
        %get3A_146 = arith.constant 0 : i32
        %get3A_147 = tpu.memref_slice %arg9[%and3A_99, %get3A, %get3A_146] : memref<4x64x128xf32, #tpu.memory_space<vmem>> -> memref<1x64x128xf32, #tpu.memory_space<vmem>>
        %get3A_148 = tpu.memref_squeeze %get3A_147 : memref<1x64x128xf32, #tpu.memory_space<vmem>> -> memref<64x128xf32, #tpu.memory_space<vmem>>
        %get3A_149 = arith.index_cast %add3A_145 : i32 to index
        %get3A_150 = arith.constant 0 : index
        %get3A_151 = tpu.vector_load %get3A_148[%get3A_149, %get3A_150] {strides = array<i32>} : memref<64x128xf32, #tpu.memory_space<vmem>>, vector<16xf32>,
        %get3A_152 = arith.constant 0 : i32
        %get3A_153 = arith.constant 0 : i32
        %get3A_154 = tpu.memref_slice %arg10[%and3A_99, %get3A_152, %get3A_153] : memref<4x64x128xf32, #tpu.memory_space<vmem>> -> memref<1x64x128xf32, #tpu.memory_space<vmem>>
        %get3A_155 = tpu.memref_squeeze %get3A_154 : memref<1x64x128xf32, #tpu.memory_space<vmem>> -> memref<64x128xf32, #tpu.memory_space<vmem>>
        %get3A_156 = arith.index_cast %add3A_145 : i32 to index
        %get3A_157 = arith.constant 0 : index
        %get3A_158 = tpu.vector_load %get3A_155[%get3A_156, %get3A_157] {strides = array<i32>} : memref<64x128xf32, #tpu.memory_space<vmem>>, vector<16xf32>,
        %mul3A_159 = arith.mulf %get3A_151, %get3A_158 : vector<16xf32>
        %get3A_160 = arith.constant 0 : i32
        %get3A_161 = arith.constant 0 : i32
        %get3A_162 = tpu.memref_slice %arg9[%and3A_99, %get3A_160, %get3A_161] : memref<4x64x128xf32, #tpu.memory_space<vmem>> -> memref<1x64x128xf32, #tpu.memory_space<vmem>>
        %get3A_163 = tpu.memref_squeeze %get3A_162 : memref<1x64x128xf32, #tpu.memory_space<vmem>> -> memref<64x128xf32, #tpu.memory_space<vmem>>
        %get3A_164 = arith.index_cast %add3A_145 : i32 to index
        %get3A_165 = arith.constant 16 : index
        %get3A_166 = tpu.vector_load %get3A_163[%get3A_164, %get3A_165] {strides = array<i32>} : memref<64x128xf32, #tpu.memory_space<vmem>>, vector<16xf32>,
        %get3A_167 = arith.constant 0 : i32
        %get3A_168 = arith.constant 0 : i32
        %get3A_169 = tpu.memref_slice %arg10[%and3A_99, %get3A_167, %get3A_168] : memref<4x64x128xf32, #tpu.memory_space<vmem>> -> memref<1x64x128xf32, #tpu.memory_space<vmem>>
        %get3A_170 = tpu.memref_squeeze %get3A_169 : memref<1x64x128xf32, #tpu.memory_space<vmem>> -> memref<64x128xf32, #tpu.memory_space<vmem>>
        %get3A_171 = arith.index_cast %add3A_145 : i32 to index
        %get3A_172 = arith.constant 16 : index
        %get3A_173 = tpu.vector_load %get3A_170[%get3A_171, %get3A_172] {strides = array<i32>} : memref<64x128xf32, #tpu.memory_space<vmem>>, vector<16xf32>,
        %mul3A_174 = arith.mulf %get3A_166, %get3A_173 : vector<16xf32>
        %get3A_175 = arith.constant 0 : i32
        %get3A_176 = arith.constant 0 : i32
        %get3A_177 = tpu.memref_slice %arg9[%and3A_99, %get3A_175, %get3A_176] : memref<4x64x128xf32, #tpu.memory_space<vmem>> -> memref<1x64x128xf32, #tpu.memory_space<vmem>>
        %get3A_178 = tpu.memref_squeeze %get3A_177 : memref<1x64x128xf32, #tpu.memory_space<vmem>> -> memref<64x128xf32, #tpu.memory_space<vmem>>
        %get3A_179 = arith.index_cast %add3A_145 : i32 to index
        %get3A_180 = arith.constant 32 : index
        %get3A_181 = tpu.vector_load %get3A_178[%get3A_179, %get3A_180] {strides = array<i32>} : memref<64x128xf32, #tpu.memory_space<vmem>>, vector<16xf32>,
        %get3A_182 = arith.constant 0 : i32
        %get3A_183 = arith.constant 0 : i32
        %get3A_184 = tpu.memref_slice %arg10[%and3A_99, %get3A_182, %get3A_183] : memref<4x64x128xf32, #tpu.memory_space<vmem>> -> memref<1x64x128xf32, #tpu.memory_space<vmem>>
        %get3A_185 = tpu.memref_squeeze %get3A_184 : memref<1x64x128xf32, #tpu.memory_space<vmem>> -> memref<64x128xf32, #tpu.memory_space<vmem>>
        %get3A_186 = arith.index_cast %add3A_145 : i32 to index
        %get3A_187 = arith.constant 32 : index
        %get3A_188 = tpu.vector_load %get3A_185[%get3A_186, %get3A_187] {strides = array<i32>} : memref<64x128xf32, #tpu.memory_space<vmem>>, vector<16xf32>,
        %mul3A_189 = arith.mulf %get3A_181, %get3A_188 : vector<16xf32>
        %get3A_190 = arith.constant 0 : i32
        %get3A_191 = arith.constant 0 : i32
        %get3A_192 = tpu.memref_slice %arg9[%and3A_99, %get3A_190, %get3A_191] : memref<4x64x128xf32, #tpu.memory_space<vmem>> -> memref<1x64x128xf32, #tpu.memory_space<vmem>>
        %get3A_193 = tpu.memref_squeeze %get3A_192 : memref<1x64x128xf32, #tpu.memory_space<vmem>> -> memref<64x128xf32, #tpu.memory_space<vmem>>
        %get3A_194 = arith.index_cast %add3A_145 : i32 to index
        %get3A_195 = arith.constant 48 : index
        %get3A_196 = tpu.vector_load %get3A_193[%get3A_194, %get3A_195] {strides = array<i32>} : memref<64x128xf32, #tpu.memory_space<vmem>>, vector<16xf32>,
        %get3A_197 = arith.constant 0 : i32
        %get3A_198 = arith.constant 0 : i32
        %get3A_199 = tpu.memref_slice %arg10[%and3A_99, %get3A_197, %get3A_198] : memref<4x64x128xf32, #tpu.memory_space<vmem>> -> memref<1x64x128xf32, #tpu.memory_space<vmem>>
        %get3A_200 = tpu.memref_squeeze %get3A_199 : memref<1x64x128xf32, #tpu.memory_space<vmem>> -> memref<64x128xf32, #tpu.memory_space<vmem>>
        %get3A_201 = arith.index_cast %add3A_145 : i32 to index
        %get3A_202 = arith.constant 48 : index
        %get3A_203 = tpu.vector_load %get3A_200[%get3A_201, %get3A_202] {strides = array<i32>} : memref<64x128xf32, #tpu.memory_space<vmem>>, vector<16xf32>,
        %mul3A_204 = arith.mulf %get3A_196, %get3A_203 : vector<16xf32>
        %get3A_205 = arith.constant 0 : i32
        %get3A_206 = arith.constant 0 : i32
        %get3A_207 = tpu.memref_slice %arg9[%and3A_99, %get3A_205, %get3A_206] : memref<4x64x128xf32, #tpu.memory_space<vmem>> -> memref<1x64x128xf32, #tpu.memory_space<vmem>>
        %get3A_208 = tpu.memref_squeeze %get3A_207 : memref<1x64x128xf32, #tpu.memory_space<vmem>> -> memref<64x128xf32, #tpu.memory_space<vmem>>
        %get3A_209 = arith.index_cast %add3A_145 : i32 to index
        %get3A_210 = arith.constant 64 : index
        %get3A_211 = tpu.vector_load %get3A_208[%get3A_209, %get3A_210] {strides = array<i32>} : memref<64x128xf32, #tpu.memory_space<vmem>>, vector<16xf32>,
        %get3A_212 = arith.constant 0 : i32
        %get3A_213 = arith.constant 0 : i32
        %get3A_214 = tpu.memref_slice %arg10[%and3A_99, %get3A_212, %get3A_213] : memref<4x64x128xf32, #tpu.memory_space<vmem>> -> memref<1x64x128xf32, #tpu.memory_space<vmem>>
        %get3A_215 = tpu.memref_squeeze %get3A_214 : memref<1x64x128xf32, #tpu.memory_space<vmem>> -> memref<64x128xf32, #tpu.memory_space<vmem>>
        %get3A_216 = arith.index_cast %add3A_145 : i32 to index
        %get3A_217 = arith.constant 64 : index
        %get3A_218 = tpu.vector_load %get3A_215[%get3A_216, %get3A_217] {strides = array<i32>} : memref<64x128xf32, #tpu.memory_space<vmem>>, vector<16xf32>,
        %mul3A_219 = arith.mulf %get3A_211, %get3A_218 : vector<16xf32>
        %get3A_220 = arith.constant 0 : i32
        %get3A_221 = arith.constant 0 : i32
        %get3A_222 = tpu.memref_slice %arg9[%and3A_99, %get3A_220, %get3A_221] : memref<4x64x128xf32, #tpu.memory_space<vmem>> -> memref<1x64x128xf32, #tpu.memory_space<vmem>>
        %get3A_223 = tpu.memref_squeeze %get3A_222 : memref<1x64x128xf32, #tpu.memory_space<vmem>> -> memref<64x128xf32, #tpu.memory_space<vmem>>
        %get3A_224 = arith.index_cast %add3A_145 : i32 to index
        %get3A_225 = arith.constant 80 : index
        %get3A_226 = tpu.vector_load %get3A_223[%get3A_224, %get3A_225] {strides = array<i32>} : memref<64x128xf32, #tpu.memory_space<vmem>>, vector<16xf32>,
        %get3A_227 = arith.constant 0 : i32
        %get3A_228 = arith.constant 0 : i32
        %get3A_229 = tpu.memref_slice %arg10[%and3A_99, %get3A_227, %get3A_228] : memref<4x64x128xf32, #tpu.memory_space<vmem>> -> memref<1x64x128xf32, #tpu.memory_space<vmem>>
        %get3A_230 = tpu.memref_squeeze %get3A_229 : memref<1x64x128xf32, #tpu.memory_space<vmem>> -> memref<64x128xf32, #tpu.memory_space<vmem>>
        %get3A_231 = arith.index_cast %add3A_145 : i32 to index
        %get3A_232 = arith.constant 80 : index
        %get3A_233 = tpu.vector_load %get3A_230[%get3A_231, %get3A_232] {strides = array<i32>} : memref<64x128xf32, #tpu.memory_space<vmem>>, vector<16xf32>,
        %mul3A_234 = arith.mulf %get3A_226, %get3A_233 : vector<16xf32>
        %get3A_235 = arith.constant 0 : i32
        %get3A_236 = arith.constant 0 : i32
        %get3A_237 = tpu.memref_slice %arg9[%and3A_99, %get3A_235, %get3A_236] : memref<4x64x128xf32, #tpu.memory_space<vmem>> -> memref<1x64x128xf32, #tpu.memory_space<vmem>>
        %get3A_238 = tpu.memref_squeeze %get3A_237 : memref<1x64x128xf32, #tpu.memory_space<vmem>> -> memref<64x128xf32, #tpu.memory_space<vmem>>
        %get3A_239 = arith.index_cast %add3A_145 : i32 to index
        %get3A_240 = arith.constant 96 : index
        %get3A_241 = tpu.vector_load %get3A_238[%get3A_239, %get3A_240] {strides = array<i32>} : memref<64x128xf32, #tpu.memory_space<vmem>>, vector<16xf32>,
        %get3A_242 = arith.constant 0 : i32
        %get3A_243 = arith.constant 0 : i32
        %get3A_244 = tpu.memref_slice %arg10[%and3A_99, %get3A_242, %get3A_243] : memref<4x64x128xf32, #tpu.memory_space<vmem>> -> memref<1x64x128xf32, #tpu.memory_space<vmem>>
        %get3A_245 = tpu.memref_squeeze %get3A_244 : memref<1x64x128xf32, #tpu.memory_space<vmem>> -> memref<64x128xf32, #tpu.memory_space<vmem>>
        %get3A_246 = arith.index_cast %add3A_145 : i32 to index
        %get3A_247 = arith.constant 96 : index
        %get3A_248 = tpu.vector_load %get3A_245[%get3A_246, %get3A_247] {strides = array<i32>} : memref<64x128xf32, #tpu.memory_space<vmem>>, vector<16xf32>,
        %mul3A_249 = arith.mulf %get3A_241, %get3A_248 : vector<16xf32>
        %get3A_250 = arith.constant 0 : i32
        %get3A_251 = arith.constant 0 : i32
        %get3A_252 = tpu.memref_slice %arg9[%and3A_99, %get3A_250, %get3A_251] : memref<4x64x128xf32, #tpu.memory_space<vmem>> -> memref<1x64x128xf32, #tpu.memory_space<vmem>>
        %get3A_253 = tpu.memref_squeeze %get3A_252 : memref<1x64x128xf32, #tpu.memory_space<vmem>> -> memref<64x128xf32, #tpu.memory_space<vmem>>
        %get3A_254 = arith.index_cast %add3A_145 : i32 to index
        %get3A_255 = arith.constant 112 : index
        %get3A_256 = tpu.vector_load %get3A_253[%get3A_254, %get3A_255] {strides = array<i32>} : memref<64x128xf32, #tpu.memory_space<vmem>>, vector<16xf32>,
        %get3A_257 = arith.constant 0 : i32
        %get3A_258 = arith.constant 0 : i32
        %get3A_259 = tpu.memref_slice %arg10[%and3A_99, %get3A_257, %get3A_258] : memref<4x64x128xf32, #tpu.memory_space<vmem>> -> memref<1x64x128xf32, #tpu.memory_space<vmem>>
        %get3A_260 = tpu.memref_squeeze %get3A_259 : memref<1x64x128xf32, #tpu.memory_space<vmem>> -> memref<64x128xf32, #tpu.memory_space<vmem>>
        %get3A_261 = arith.index_cast %add3A_145 : i32 to index
        %get3A_262 = arith.constant 112 : index
        %get3A_263 = tpu.vector_load %get3A_260[%get3A_261, %get3A_262] {strides = array<i32>} : memref<64x128xf32, #tpu.memory_space<vmem>>, vector<16xf32>,
        %mul3A_264 = arith.mulf %get3A_256, %get3A_263 : vector<16xf32>
        %add3A_265 = arith.addf %mul3A_159, %mul3A_174 : vector<16xf32>
        %add3A_266 = arith.addf %mul3A_189, %mul3A_204 : vector<16xf32>
        %add3A_267 = arith.addf %mul3A_219, %mul3A_234 : vector<16xf32>
        %add3A_268 = arith.addf %mul3A_249, %mul3A_264 : vector<16xf32>
        %add3A_269 = arith.addf %add3A_265, %add3A_266 : vector<16xf32>
        %add3A_270 = arith.addf %add3A_267, %add3A_268 : vector<16xf32>
        %add3A_271 = arith.addf %add3A_269, %add3A_270 : vector<16xf32>
        %add3A_272 = arith.constant 2 : i32
        %add3A_273 = arith.addi %add3A_145, %add3A_272 : i32
        %get3A_274 = arith.constant 0 : i32
        %get3A_275 = arith.constant 0 : i32
        %get3A_276 = tpu.memref_slice %arg9[%and3A_99, %get3A_274, %get3A_275] : memref<4x64x128xf32, #tpu.memory_space<vmem>> -> memref<1x64x128xf32, #tpu.memory_space<vmem>>
        %get3A_277 = tpu.memref_squeeze %get3A_276 : memref<1x64x128xf32, #tpu.memory_space<vmem>> -> memref<64x128xf32, #tpu.memory_space<vmem>>
        %get3A_278 = arith.index_cast %add3A_273 : i32 to index
        %get3A_279 = arith.constant 0 : index
        %get3A_280 = tpu.vector_load %get3A_277[%get3A_278, %get3A_279] {strides = array<i32>} : memref<64x128xf32, #tpu.memory_space<vmem>>, vector<16xf32>,
        %get3A_281 = arith.constant 0 : i32
        %get3A_282 = arith.constant 0 : i32
        %get3A_283 = tpu.memref_slice %arg10[%and3A_99, %get3A_281, %get3A_282] : memref<4x64x128xf32, #tpu.memory_space<vmem>> -> memref<1x64x128xf32, #tpu.memory_space<vmem>>
        %get3A_284 = tpu.memref_squeeze %get3A_283 : memref<1x64x128xf32, #tpu.memory_space<vmem>> -> memref<64x128xf32, #tpu.memory_space<vmem>>
        %get3A_285 = arith.index_cast %add3A_273 : i32 to index
        %get3A_286 = arith.constant 0 : index
        %get3A_287 = tpu.vector_load %get3A_284[%get3A_285, %get3A_286] {strides = array<i32>} : memref<64x128xf32, #tpu.memory_space<vmem>>, vector<16xf32>,
        %mul3A_288 = arith.mulf %get3A_280, %get3A_287 : vector<16xf32>
        %get3A_289 = arith.constant 0 : i32
        %get3A_290 = arith.constant 0 : i32
        %get3A_291 = tpu.memref_slice %arg9[%and3A_99, %get3A_289, %get3A_290] : memref<4x64x128xf32, #tpu.memory_space<vmem>> -> memref<1x64x128xf32, #tpu.memory_space<vmem>>
        %get3A_292 = tpu.memref_squeeze %get3A_291 : memref<1x64x128xf32, #tpu.memory_space<vmem>> -> memref<64x128xf32, #tpu.memory_space<vmem>>
        %get3A_293 = arith.index_cast %add3A_273 : i32 to index
        %get3A_294 = arith.constant 16 : index
        %get3A_295 = tpu.vector_load %get3A_292[%get3A_293, %get3A_294] {strides = array<i32>} : memref<64x128xf32, #tpu.memory_space<vmem>>, vector<16xf32>,
        %get3A_296 = arith.constant 0 : i32
        %get3A_297 = arith.constant 0 : i32
        %get3A_298 = tpu.memref_slice %arg10[%and3A_99, %get3A_296, %get3A_297] : memref<4x64x128xf32, #tpu.memory_space<vmem>> -> memref<1x64x128xf32, #tpu.memory_space<vmem>>
        %get3A_299 = tpu.memref_squeeze %get3A_298 : memref<1x64x128xf32, #tpu.memory_space<vmem>> -> memref<64x128xf32, #tpu.memory_space<vmem>>
        %get3A_300 = arith.index_cast %add3A_273 : i32 to index
        %get3A_301 = arith.constant 16 : index
        %get3A_302 = tpu.vector_load %get3A_299[%get3A_300, %get3A_301] {strides = array<i32>} : memref<64x128xf32, #tpu.memory_space<vmem>>, vector<16xf32>,
        %mul3A_303 = arith.mulf %get3A_295, %get3A_302 : vector<16xf32>
        %get3A_304 = arith.constant 0 : i32
        %get3A_305 = arith.constant 0 : i32
        %get3A_306 = tpu.memref_slice %arg9[%and3A_99, %get3A_304, %get3A_305] : memref<4x64x128xf32, #tpu.memory_space<vmem>> -> memref<1x64x128xf32, #tpu.memory_space<vmem>>
        %get3A_307 = tpu.memref_squeeze %get3A_306 : memref<1x64x128xf32, #tpu.memory_space<vmem>> -> memref<64x128xf32, #tpu.memory_space<vmem>>
        %get3A_308 = arith.index_cast %add3A_273 : i32 to index
        %get3A_309 = arith.constant 32 : index
        %get3A_310 = tpu.vector_load %get3A_307[%get3A_308, %get3A_309] {strides = array<i32>} : memref<64x128xf32, #tpu.memory_space<vmem>>, vector<16xf32>,
        %get3A_311 = arith.constant 0 : i32
        %get3A_312 = arith.constant 0 : i32
        %get3A_313 = tpu.memref_slice %arg10[%and3A_99, %get3A_311, %get3A_312] : memref<4x64x128xf32, #tpu.memory_space<vmem>> -> memref<1x64x128xf32, #tpu.memory_space<vmem>>
        %get3A_314 = tpu.memref_squeeze %get3A_313 : memref<1x64x128xf32, #tpu.memory_space<vmem>> -> memref<64x128xf32, #tpu.memory_space<vmem>>
        %get3A_315 = arith.index_cast %add3A_273 : i32 to index
        %get3A_316 = arith.constant 32 : index
        %get3A_317 = tpu.vector_load %get3A_314[%get3A_315, %get3A_316] {strides = array<i32>} : memref<64x128xf32, #tpu.memory_space<vmem>>, vector<16xf32>,
        %mul3A_318 = arith.mulf %get3A_310, %get3A_317 : vector<16xf32>
        %get3A_319 = arith.constant 0 : i32
        %get3A_320 = arith.constant 0 : i32
        %get3A_321 = tpu.memref_slice %arg9[%and3A_99, %get3A_319, %get3A_320] : memref<4x64x128xf32, #tpu.memory_space<vmem>> -> memref<1x64x128xf32, #tpu.memory_space<vmem>>
        %get3A_322 = tpu.memref_squeeze %get3A_321 : memref<1x64x128xf32, #tpu.memory_space<vmem>> -> memref<64x128xf32, #tpu.memory_space<vmem>>
        %get3A_323 = arith.index_cast %add3A_273 : i32 to index
        %get3A_324 = arith.constant 48 : index
        %get3A_325 = tpu.vector_load %get3A_322[%get3A_323, %get3A_324] {strides = array<i32>} : memref<64x128xf32, #tpu.memory_space<vmem>>, vector<16xf32>,
        %get3A_326 = arith.constant 0 : i32
        %get3A_327 = arith.constant 0 : i32
        %get3A_328 = tpu.memref_slice %arg10[%and3A_99, %get3A_326, %get3A_327] : memref<4x64x128xf32, #tpu.memory_space<vmem>> -> memref<1x64x128xf32, #tpu.memory_space<vmem>>
        %get3A_329 = tpu.memref_squeeze %get3A_328 : memref<1x64x128xf32, #tpu.memory_space<vmem>> -> memref<64x128xf32, #tpu.memory_space<vmem>>
        %get3A_330 = arith.index_cast %add3A_273 : i32 to index
        %get3A_331 = arith.constant 48 : index
        %get3A_332 = tpu.vector_load %get3A_329[%get3A_330, %get3A_331] {strides = array<i32>} : memref<64x128xf32, #tpu.memory_space<vmem>>, vector<16xf32>,
        %mul3A_333 = arith.mulf %get3A_325, %get3A_332 : vector<16xf32>
        %get3A_334 = arith.constant 0 : i32
        %get3A_335 = arith.constant 0 : i32
        %get3A_336 = tpu.memref_slice %arg9[%and3A_99, %get3A_334, %get3A_335] : memref<4x64x128xf32, #tpu.memory_space<vmem>> -> memref<1x64x128xf32, #tpu.memory_space<vmem>>
        %get3A_337 = tpu.memref_squeeze %get3A_336 : memref<1x64x128xf32, #tpu.memory_space<vmem>> -> memref<64x128xf32, #tpu.memory_space<vmem>>
        %get3A_338 = arith.index_cast %add3A_273 : i32 to index
        %get3A_339 = arith.constant 64 : index
        %get3A_340 = tpu.vector_load %get3A_337[%get3A_338, %get3A_339] {strides = array<i32>} : memref<64x128xf32, #tpu.memory_space<vmem>>, vector<16xf32>,
        %get3A_341 = arith.constant 0 : i32
        %get3A_342 = arith.constant 0 : i32
        %get3A_343 = tpu.memref_slice %arg10[%and3A_99, %get3A_341, %get3A_342] : memref<4x64x128xf32, #tpu.memory_space<vmem>> -> memref<1x64x128xf32, #tpu.memory_space<vmem>>
        %get3A_344 = tpu.memref_squeeze %get3A_343 : memref<1x64x128xf32, #tpu.memory_space<vmem>> -> memref<64x128xf32, #tpu.memory_space<vmem>>
        %get3A_345 = arith.index_cast %add3A_273 : i32 to index
        %get3A_346 = arith.constant 64 : index
        %get3A_347 = tpu.vector_load %get3A_344[%get3A_345, %get3A_346] {strides = array<i32>} : memref<64x128xf32, #tpu.memory_space<vmem>>, vector<16xf32>,
        %mul3A_348 = arith.mulf %get3A_340, %get3A_347 : vector<16xf32>
        %get3A_349 = arith.constant 0 : i32
        %get3A_350 = arith.constant 0 : i32
        %get3A_351 = tpu.memref_slice %arg9[%and3A_99, %get3A_349, %get3A_350] : memref<4x64x128xf32, #tpu.memory_space<vmem>> -> memref<1x64x128xf32, #tpu.memory_space<vmem>>
        %get3A_352 = tpu.memref_squeeze %get3A_351 : memref<1x64x128xf32, #tpu.memory_space<vmem>> -> memref<64x128xf32, #tpu.memory_space<vmem>>
        %get3A_353 = arith.index_cast %add3A_273 : i32 to index
        %get3A_354 = arith.constant 80 : index
        %get3A_355 = tpu.vector_load %get3A_352[%get3A_353, %get3A_354] {strides = array<i32>} : memref<64x128xf32, #tpu.memory_space<vmem>>, vector<16xf32>,
        %get3A_356 = arith.constant 0 : i32
        %get3A_357 = arith.constant 0 : i32
        %get3A_358 = tpu.memref_slice %arg10[%and3A_99, %get3A_356, %get3A_357] : memref<4x64x128xf32, #tpu.memory_space<vmem>> -> memref<1x64x128xf32, #tpu.memory_space<vmem>>
        %get3A_359 = tpu.memref_squeeze %get3A_358 : memref<1x64x128xf32, #tpu.memory_space<vmem>> -> memref<64x128xf32, #tpu.memory_space<vmem>>
        %get3A_360 = arith.index_cast %add3A_273 : i32 to index
        %get3A_361 = arith.constant 80 : index
        %get3A_362 = tpu.vector_load %get3A_359[%get3A_360, %get3A_361] {strides = array<i32>} : memref<64x128xf32, #tpu.memory_space<vmem>>, vector<16xf32>,
        %mul3A_363 = arith.mulf %get3A_355, %get3A_362 : vector<16xf32>
        %get3A_364 = arith.constant 0 : i32
        %get3A_365 = arith.constant 0 : i32
        %get3A_366 = tpu.memref_slice %arg9[%and3A_99, %get3A_364, %get3A_365] : memref<4x64x128xf32, #tpu.memory_space<vmem>> -> memref<1x64x128xf32, #tpu.memory_space<vmem>>
        %get3A_367 = tpu.memref_squeeze %get3A_366 : memref<1x64x128xf32, #tpu.memory_space<vmem>> -> memref<64x128xf32, #tpu.memory_space<vmem>>
        %get3A_368 = arith.index_cast %add3A_273 : i32 to index
        %get3A_369 = arith.constant 96 : index
        %get3A_370 = tpu.vector_load %get3A_367[%get3A_368, %get3A_369] {strides = array<i32>} : memref<64x128xf32, #tpu.memory_space<vmem>>, vector<16xf32>,
        %get3A_371 = arith.constant 0 : i32
        %get3A_372 = arith.constant 0 : i32
        %get3A_373 = tpu.memref_slice %arg10[%and3A_99, %get3A_371, %get3A_372] : memref<4x64x128xf32, #tpu.memory_space<vmem>> -> memref<1x64x128xf32, #tpu.memory_space<vmem>>
        %get3A_374 = tpu.memref_squeeze %get3A_373 : memref<1x64x128xf32, #tpu.memory_space<vmem>> -> memref<64x128xf32, #tpu.memory_space<vmem>>
        %get3A_375 = arith.index_cast %add3A_273 : i32 to index
        %get3A_376 = arith.constant 96 : index
        %get3A_377 = tpu.vector_load %get3A_374[%get3A_375, %get3A_376] {strides = array<i32>} : memref<64x128xf32, #tpu.memory_space<vmem>>, vector<16xf32>,
        %mul3A_378 = arith.mulf %get3A_370, %get3A_377 : vector<16xf32>
        %get3A_379 = arith.constant 0 : i32
        %get3A_380 = arith.constant 0 : i32
        %get3A_381 = tpu.memref_slice %arg9[%and3A_99, %get3A_379, %get3A_380] : memref<4x64x128xf32, #tpu.memory_space<vmem>> -> memref<1x64x128xf32, #tpu.memory_space<vmem>>
        %get3A_382 = tpu.memref_squeeze %get3A_381 : memref<1x64x128xf32, #tpu.memory_space<vmem>> -> memref<64x128xf32, #tpu.memory_space<vmem>>
        %get3A_383 = arith.index_cast %add3A_273 : i32 to index
        %get3A_384 = arith.constant 112 : index
        %get3A_385 = tpu.vector_load %get3A_382[%get3A_383, %get3A_384] {strides = array<i32>} : memref<64x128xf32, #tpu.memory_space<vmem>>, vector<16xf32>,
        %get3A_386 = arith.constant 0 : i32
        %get3A_387 = arith.constant 0 : i32
        %get3A_388 = tpu.memref_slice %arg10[%and3A_99, %get3A_386, %get3A_387] : memref<4x64x128xf32, #tpu.memory_space<vmem>> -> memref<1x64x128xf32, #tpu.memory_space<vmem>>
        %get3A_389 = tpu.memref_squeeze %get3A_388 : memref<1x64x128xf32, #tpu.memory_space<vmem>> -> memref<64x128xf32, #tpu.memory_space<vmem>>
        %get3A_390 = arith.index_cast %add3A_273 : i32 to index
        %get3A_391 = arith.constant 112 : index
        %get3A_392 = tpu.vector_load %get3A_389[%get3A_390, %get3A_391] {strides = array<i32>} : memref<64x128xf32, #tpu.memory_space<vmem>>, vector<16xf32>,
        %mul3A_393 = arith.mulf %get3A_385, %get3A_392 : vector<16xf32>
        %add3A_394 = arith.addf %mul3A_288, %mul3A_303 : vector<16xf32>
        %add3A_395 = arith.addf %mul3A_318, %mul3A_333 : vector<16xf32>
        %add3A_396 = arith.addf %mul3A_348, %mul3A_363 : vector<16xf32>
        %add3A_397 = arith.addf %mul3A_378, %mul3A_393 : vector<16xf32>
        %add3A_398 = arith.addf %add3A_394, %add3A_395 : vector<16xf32>
        %add3A_399 = arith.addf %add3A_396, %add3A_397 : vector<16xf32>
        %add3A_400 = arith.addf %add3A_398, %add3A_399 : vector<16xf32>
        %and3A_401 = arith.constant 8 : i32
        %and3A_402 = vector.broadcast %and3A_401 : i32 to vector<16xi32>
        %and3A_403 = arith.andi %iota3A, %and3A_402 : vector<16xi32>
        %eq3A_404 = arith.constant 0 : i32
        %eq3A_405 = vector.broadcast %eq3A_404 : i32 to vector<16xi32>
        %eq3A_406 = arith.cmpi eq, %and3A_403, %eq3A_405 : vector<16xi32>
        %xor3A = arith.constant 8 : i32
        %xor3A_407 = vector.broadcast %xor3A : i32 to vector<16xi32>
        %xor3A_408 = arith.xori %iota3A, %xor3A_407 : vector<16xi32>
        %broadcast_in_dim3A = vector.shape_cast %xor3A_408 : vector<16xi32> to vector<16x1xi32>
        %gather3A = vector.shape_cast %broadcast_in_dim3A : vector<16x1xi32> to vector<16xi32>
        %gather3A_409 = tpu.dynamic_gather %add3A_400[%gather3A] in [0] : vector<16xf32>, vector<16xi32> -> vector<16xf32>
        %select_n3A = arith.select %eq3A_406, %add3A_271, %gather3A_409 : vector<16xi1>, vector<16xf32>
        %xor3A_410 = arith.constant 8 : i32
        %xor3A_411 = vector.broadcast %xor3A_410 : i32 to vector<16xi32>
        %xor3A_412 = arith.xori %iota3A, %xor3A_411 : vector<16xi32>
        %broadcast_in_dim3A_413 = vector.shape_cast %xor3A_412 : vector<16xi32> to vector<16x1xi32>
        %gather3A_414 = vector.shape_cast %broadcast_in_dim3A_413 : vector<16x1xi32> to vector<16xi32>
        %gather3A_415 = tpu.dynamic_gather %add3A_271[%gather3A_414] in [0] : vector<16xf32>, vector<16xi32> -> vector<16xf32>
        %select_n3A_416 = arith.select %eq3A_406, %gather3A_415, %add3A_400 : vector<16xi1>, vector<16xf32>
        %add3A_417 = arith.addf %select_n3A, %select_n3A_416 : vector<16xf32>
        %add3A_418 = arith.constant 1 : i32
        %add3A_419 = arith.addi %add3A_145, %add3A_418 : i32
        %get3A_420 = arith.constant 0 : i32
        %get3A_421 = arith.constant 0 : i32
        %get3A_422 = tpu.memref_slice %arg9[%and3A_99, %get3A_420, %get3A_421] : memref<4x64x128xf32, #tpu.memory_space<vmem>> -> memref<1x64x128xf32, #tpu.memory_space<vmem>>
        %get3A_423 = tpu.memref_squeeze %get3A_422 : memref<1x64x128xf32, #tpu.memory_space<vmem>> -> memref<64x128xf32, #tpu.memory_space<vmem>>
        %get3A_424 = arith.index_cast %add3A_419 : i32 to index
        %get3A_425 = arith.constant 0 : index
        %get3A_426 = tpu.vector_load %get3A_423[%get3A_424, %get3A_425] {strides = array<i32>} : memref<64x128xf32, #tpu.memory_space<vmem>>, vector<16xf32>,
        %get3A_427 = arith.constant 0 : i32
        %get3A_428 = arith.constant 0 : i32
        %get3A_429 = tpu.memref_slice %arg10[%and3A_99, %get3A_427, %get3A_428] : memref<4x64x128xf32, #tpu.memory_space<vmem>> -> memref<1x64x128xf32, #tpu.memory_space<vmem>>
        %get3A_430 = tpu.memref_squeeze %get3A_429 : memref<1x64x128xf32, #tpu.memory_space<vmem>> -> memref<64x128xf32, #tpu.memory_space<vmem>>
        %get3A_431 = arith.index_cast %add3A_419 : i32 to index
        %get3A_432 = arith.constant 0 : index
        %get3A_433 = tpu.vector_load %get3A_430[%get3A_431, %get3A_432] {strides = array<i32>} : memref<64x128xf32, #tpu.memory_space<vmem>>, vector<16xf32>,
        %mul3A_434 = arith.mulf %get3A_426, %get3A_433 : vector<16xf32>
        %get3A_435 = arith.constant 0 : i32
        %get3A_436 = arith.constant 0 : i32
        %get3A_437 = tpu.memref_slice %arg9[%and3A_99, %get3A_435, %get3A_436] : memref<4x64x128xf32, #tpu.memory_space<vmem>> -> memref<1x64x128xf32, #tpu.memory_space<vmem>>
        %get3A_438 = tpu.memref_squeeze %get3A_437 : memref<1x64x128xf32, #tpu.memory_space<vmem>> -> memref<64x128xf32, #tpu.memory_space<vmem>>
        %get3A_439 = arith.index_cast %add3A_419 : i32 to index
        %get3A_440 = arith.constant 16 : index
        %get3A_441 = tpu.vector_load %get3A_438[%get3A_439, %get3A_440] {strides = array<i32>} : memref<64x128xf32, #tpu.memory_space<vmem>>, vector<16xf32>,
        %get3A_442 = arith.constant 0 : i32
        %get3A_443 = arith.constant 0 : i32
        %get3A_444 = tpu.memref_slice %arg10[%and3A_99, %get3A_442, %get3A_443] : memref<4x64x128xf32, #tpu.memory_space<vmem>> -> memref<1x64x128xf32, #tpu.memory_space<vmem>>
        %get3A_445 = tpu.memref_squeeze %get3A_444 : memref<1x64x128xf32, #tpu.memory_space<vmem>> -> memref<64x128xf32, #tpu.memory_space<vmem>>
        %get3A_446 = arith.index_cast %add3A_419 : i32 to index
        %get3A_447 = arith.constant 16 : index
        %get3A_448 = tpu.vector_load %get3A_445[%get3A_446, %get3A_447] {strides = array<i32>} : memref<64x128xf32, #tpu.memory_space<vmem>>, vector<16xf32>,
        %mul3A_449 = arith.mulf %get3A_441, %get3A_448 : vector<16xf32>
        %get3A_450 = arith.constant 0 : i32
        %get3A_451 = arith.constant 0 : i32
        %get3A_452 = tpu.memref_slice %arg9[%and3A_99, %get3A_450, %get3A_451] : memref<4x64x128xf32, #tpu.memory_space<vmem>> -> memref<1x64x128xf32, #tpu.memory_space<vmem>>
        %get3A_453 = tpu.memref_squeeze %get3A_452 : memref<1x64x128xf32, #tpu.memory_space<vmem>> -> memref<64x128xf32, #tpu.memory_space<vmem>>
        %get3A_454 = arith.index_cast %add3A_419 : i32 to index
        %get3A_455 = arith.constant 32 : index
        %get3A_456 = tpu.vector_load %get3A_453[%get3A_454, %get3A_455] {strides = array<i32>} : memref<64x128xf32, #tpu.memory_space<vmem>>, vector<16xf32>,
        %get3A_457 = arith.constant 0 : i32
        %get3A_458 = arith.constant 0 : i32
        %get3A_459 = tpu.memref_slice %arg10[%and3A_99, %get3A_457, %get3A_458] : memref<4x64x128xf32, #tpu.memory_space<vmem>> -> memref<1x64x128xf32, #tpu.memory_space<vmem>>
        %get3A_460 = tpu.memref_squeeze %get3A_459 : memref<1x64x128xf32, #tpu.memory_space<vmem>> -> memref<64x128xf32, #tpu.memory_space<vmem>>
        %get3A_461 = arith.index_cast %add3A_419 : i32 to index
        %get3A_462 = arith.constant 32 : index
        %get3A_463 = tpu.vector_load %get3A_460[%get3A_461, %get3A_462] {strides = array<i32>} : memref<64x128xf32, #tpu.memory_space<vmem>>, vector<16xf32>,
        %mul3A_464 = arith.mulf %get3A_456, %get3A_463 : vector<16xf32>
        %get3A_465 = arith.constant 0 : i32
        %get3A_466 = arith.constant 0 : i32
        %get3A_467 = tpu.memref_slice %arg9[%and3A_99, %get3A_465, %get3A_466] : memref<4x64x128xf32, #tpu.memory_space<vmem>> -> memref<1x64x128xf32, #tpu.memory_space<vmem>>
        %get3A_468 = tpu.memref_squeeze %get3A_467 : memref<1x64x128xf32, #tpu.memory_space<vmem>> -> memref<64x128xf32, #tpu.memory_space<vmem>>
        %get3A_469 = arith.index_cast %add3A_419 : i32 to index
        %get3A_470 = arith.constant 48 : index
        %get3A_471 = tpu.vector_load %get3A_468[%get3A_469, %get3A_470] {strides = array<i32>} : memref<64x128xf32, #tpu.memory_space<vmem>>, vector<16xf32>,
        %get3A_472 = arith.constant 0 : i32
        %get3A_473 = arith.constant 0 : i32
        %get3A_474 = tpu.memref_slice %arg10[%and3A_99, %get3A_472, %get3A_473] : memref<4x64x128xf32, #tpu.memory_space<vmem>> -> memref<1x64x128xf32, #tpu.memory_space<vmem>>
        %get3A_475 = tpu.memref_squeeze %get3A_474 : memref<1x64x128xf32, #tpu.memory_space<vmem>> -> memref<64x128xf32, #tpu.memory_space<vmem>>
        %get3A_476 = arith.index_cast %add3A_419 : i32 to index
        %get3A_477 = arith.constant 48 : index
        %get3A_478 = tpu.vector_load %get3A_475[%get3A_476, %get3A_477] {strides = array<i32>} : memref<64x128xf32, #tpu.memory_space<vmem>>, vector<16xf32>,
        %mul3A_479 = arith.mulf %get3A_471, %get3A_478 : vector<16xf32>
        %get3A_480 = arith.constant 0 : i32
        %get3A_481 = arith.constant 0 : i32
        %get3A_482 = tpu.memref_slice %arg9[%and3A_99, %get3A_480, %get3A_481] : memref<4x64x128xf32, #tpu.memory_space<vmem>> -> memref<1x64x128xf32, #tpu.memory_space<vmem>>
        %get3A_483 = tpu.memref_squeeze %get3A_482 : memref<1x64x128xf32, #tpu.memory_space<vmem>> -> memref<64x128xf32, #tpu.memory_space<vmem>>
        %get3A_484 = arith.index_cast %add3A_419 : i32 to index
        %get3A_485 = arith.constant 64 : index
        %get3A_486 = tpu.vector_load %get3A_483[%get3A_484, %get3A_485] {strides = array<i32>} : memref<64x128xf32, #tpu.memory_space<vmem>>, vector<16xf32>,
        %get3A_487 = arith.constant 0 : i32
        %get3A_488 = arith.constant 0 : i32
        %get3A_489 = tpu.memref_slice %arg10[%and3A_99, %get3A_487, %get3A_488] : memref<4x64x128xf32, #tpu.memory_space<vmem>> -> memref<1x64x128xf32, #tpu.memory_space<vmem>>
        %get3A_490 = tpu.memref_squeeze %get3A_489 : memref<1x64x128xf32, #tpu.memory_space<vmem>> -> memref<64x128xf32, #tpu.memory_space<vmem>>
        %get3A_491 = arith.index_cast %add3A_419 : i32 to index
        %get3A_492 = arith.constant 64 : index
        %get3A_493 = tpu.vector_load %get3A_490[%get3A_491, %get3A_492] {strides = array<i32>} : memref<64x128xf32, #tpu.memory_space<vmem>>, vector<16xf32>,
        %mul3A_494 = arith.mulf %get3A_486, %get3A_493 : vector<16xf32>
        %get3A_495 = arith.constant 0 : i32
        %get3A_496 = arith.constant 0 : i32
        %get3A_497 = tpu.memref_slice %arg9[%and3A_99, %get3A_495, %get3A_496] : memref<4x64x128xf32, #tpu.memory_space<vmem>> -> memref<1x64x128xf32, #tpu.memory_space<vmem>>
        %get3A_498 = tpu.memref_squeeze %get3A_497 : memref<1x64x128xf32, #tpu.memory_space<vmem>> -> memref<64x128xf32, #tpu.memory_space<vmem>>
        %get3A_499 = arith.index_cast %add3A_419 : i32 to index
        %get3A_500 = arith.constant 80 : index
        %get3A_501 = tpu.vector_load %get3A_498[%get3A_499, %get3A_500] {strides = array<i32>} : memref<64x128xf32, #tpu.memory_space<vmem>>, vector<16xf32>,
        %get3A_502 = arith.constant 0 : i32
        %get3A_503 = arith.constant 0 : i32
        %get3A_504 = tpu.memref_slice %arg10[%and3A_99, %get3A_502, %get3A_503] : memref<4x64x128xf32, #tpu.memory_space<vmem>> -> memref<1x64x128xf32, #tpu.memory_space<vmem>>
        %get3A_505 = tpu.memref_squeeze %get3A_504 : memref<1x64x128xf32, #tpu.memory_space<vmem>> -> memref<64x128xf32, #tpu.memory_space<vmem>>
        %get3A_506 = arith.index_cast %add3A_419 : i32 to index
        %get3A_507 = arith.constant 80 : index
        %get3A_508 = tpu.vector_load %get3A_505[%get3A_506, %get3A_507] {strides = array<i32>} : memref<64x128xf32, #tpu.memory_space<vmem>>, vector<16xf32>,
        %mul3A_509 = arith.mulf %get3A_501, %get3A_508 : vector<16xf32>
        %get3A_510 = arith.constant 0 : i32
        %get3A_511 = arith.constant 0 : i32
        %get3A_512 = tpu.memref_slice %arg9[%and3A_99, %get3A_510, %get3A_511] : memref<4x64x128xf32, #tpu.memory_space<vmem>> -> memref<1x64x128xf32, #tpu.memory_space<vmem>>
        %get3A_513 = tpu.memref_squeeze %get3A_512 : memref<1x64x128xf32, #tpu.memory_space<vmem>> -> memref<64x128xf32, #tpu.memory_space<vmem>>
        %get3A_514 = arith.index_cast %add3A_419 : i32 to index
        %get3A_515 = arith.constant 96 : index
        %get3A_516 = tpu.vector_load %get3A_513[%get3A_514, %get3A_515] {strides = array<i32>} : memref<64x128xf32, #tpu.memory_space<vmem>>, vector<16xf32>,
        %get3A_517 = arith.constant 0 : i32
        %get3A_518 = arith.constant 0 : i32
        %get3A_519 = tpu.memref_slice %arg10[%and3A_99, %get3A_517, %get3A_518] : memref<4x64x128xf32, #tpu.memory_space<vmem>> -> memref<1x64x128xf32, #tpu.memory_space<vmem>>
        %get3A_520 = tpu.memref_squeeze %get3A_519 : memref<1x64x128xf32, #tpu.memory_space<vmem>> -> memref<64x128xf32, #tpu.memory_space<vmem>>
        %get3A_521 = arith.index_cast %add3A_419 : i32 to index
        %get3A_522 = arith.constant 96 : index
        %get3A_523 = tpu.vector_load %get3A_520[%get3A_521, %get3A_522] {strides = array<i32>} : memref<64x128xf32, #tpu.memory_space<vmem>>, vector<16xf32>,
        %mul3A_524 = arith.mulf %get3A_516, %get3A_523 : vector<16xf32>
        %get3A_525 = arith.constant 0 : i32
        %get3A_526 = arith.constant 0 : i32
        %get3A_527 = tpu.memref_slice %arg9[%and3A_99, %get3A_525, %get3A_526] : memref<4x64x128xf32, #tpu.memory_space<vmem>> -> memref<1x64x128xf32, #tpu.memory_space<vmem>>
        %get3A_528 = tpu.memref_squeeze %get3A_527 : memref<1x64x128xf32, #tpu.memory_space<vmem>> -> memref<64x128xf32, #tpu.memory_space<vmem>>
        %get3A_529 = arith.index_cast %add3A_419 : i32 to index
        %get3A_530 = arith.constant 112 : index
        %get3A_531 = tpu.vector_load %get3A_528[%get3A_529, %get3A_530] {strides = array<i32>} : memref<64x128xf32, #tpu.memory_space<vmem>>, vector<16xf32>,
        %get3A_532 = arith.constant 0 : i32
        %get3A_533 = arith.constant 0 : i32
        %get3A_534 = tpu.memref_slice %arg10[%and3A_99, %get3A_532, %get3A_533] : memref<4x64x128xf32, #tpu.memory_space<vmem>> -> memref<1x64x128xf32, #tpu.memory_space<vmem>>
        %get3A_535 = tpu.memref_squeeze %get3A_534 : memref<1x64x128xf32, #tpu.memory_space<vmem>> -> memref<64x128xf32, #tpu.memory_space<vmem>>
        %get3A_536 = arith.index_cast %add3A_419 : i32 to index
        %get3A_537 = arith.constant 112 : index
        %get3A_538 = tpu.vector_load %get3A_535[%get3A_536, %get3A_537] {strides = array<i32>} : memref<64x128xf32, #tpu.memory_space<vmem>>, vector<16xf32>,
        %mul3A_539 = arith.mulf %get3A_531, %get3A_538 : vector<16xf32>
        %add3A_540 = arith.addf %mul3A_434, %mul3A_449 : vector<16xf32>
        %add3A_541 = arith.addf %mul3A_464, %mul3A_479 : vector<16xf32>
        %add3A_542 = arith.addf %mul3A_494, %mul3A_509 : vector<16xf32>
        %add3A_543 = arith.addf %mul3A_524, %mul3A_539 : vector<16xf32>
        %add3A_544 = arith.addf %add3A_540, %add3A_541 : vector<16xf32>
        %add3A_545 = arith.addf %add3A_542, %add3A_543 : vector<16xf32>
        %add3A_546 = arith.addf %add3A_544, %add3A_545 : vector<16xf32>
        %add3A_547 = arith.constant 3 : i32
        %add3A_548 = arith.addi %add3A_145, %add3A_547 : i32
        %get3A_549 = arith.constant 0 : i32
        %get3A_550 = arith.constant 0 : i32
        %get3A_551 = tpu.memref_slice %arg9[%and3A_99, %get3A_549, %get3A_550] : memref<4x64x128xf32, #tpu.memory_space<vmem>> -> memref<1x64x128xf32, #tpu.memory_space<vmem>>
        %get3A_552 = tpu.memref_squeeze %get3A_551 : memref<1x64x128xf32, #tpu.memory_space<vmem>> -> memref<64x128xf32, #tpu.memory_space<vmem>>
        %get3A_553 = arith.index_cast %add3A_548 : i32 to index
        %get3A_554 = arith.constant 0 : index
        %get3A_555 = tpu.vector_load %get3A_552[%get3A_553, %get3A_554] {strides = array<i32>} : memref<64x128xf32, #tpu.memory_space<vmem>>, vector<16xf32>,
        %get3A_556 = arith.constant 0 : i32
        %get3A_557 = arith.constant 0 : i32
        %get3A_558 = tpu.memref_slice %arg10[%and3A_99, %get3A_556, %get3A_557] : memref<4x64x128xf32, #tpu.memory_space<vmem>> -> memref<1x64x128xf32, #tpu.memory_space<vmem>>
        %get3A_559 = tpu.memref_squeeze %get3A_558 : memref<1x64x128xf32, #tpu.memory_space<vmem>> -> memref<64x128xf32, #tpu.memory_space<vmem>>
        %get3A_560 = arith.index_cast %add3A_548 : i32 to index
        %get3A_561 = arith.constant 0 : index
        %get3A_562 = tpu.vector_load %get3A_559[%get3A_560, %get3A_561] {strides = array<i32>} : memref<64x128xf32, #tpu.memory_space<vmem>>, vector<16xf32>,
        %mul3A_563 = arith.mulf %get3A_555, %get3A_562 : vector<16xf32>
        %get3A_564 = arith.constant 0 : i32
        %get3A_565 = arith.constant 0 : i32
        %get3A_566 = tpu.memref_slice %arg9[%and3A_99, %get3A_564, %get3A_565] : memref<4x64x128xf32, #tpu.memory_space<vmem>> -> memref<1x64x128xf32, #tpu.memory_space<vmem>>
        %get3A_567 = tpu.memref_squeeze %get3A_566 : memref<1x64x128xf32, #tpu.memory_space<vmem>> -> memref<64x128xf32, #tpu.memory_space<vmem>>
        %get3A_568 = arith.index_cast %add3A_548 : i32 to index
        %get3A_569 = arith.constant 16 : index
        %get3A_570 = tpu.vector_load %get3A_567[%get3A_568, %get3A_569] {strides = array<i32>} : memref<64x128xf32, #tpu.memory_space<vmem>>, vector<16xf32>,
        %get3A_571 = arith.constant 0 : i32
        %get3A_572 = arith.constant 0 : i32
        %get3A_573 = tpu.memref_slice %arg10[%and3A_99, %get3A_571, %get3A_572] : memref<4x64x128xf32, #tpu.memory_space<vmem>> -> memref<1x64x128xf32, #tpu.memory_space<vmem>>
        %get3A_574 = tpu.memref_squeeze %get3A_573 : memref<1x64x128xf32, #tpu.memory_space<vmem>> -> memref<64x128xf32, #tpu.memory_space<vmem>>
        %get3A_575 = arith.index_cast %add3A_548 : i32 to index
        %get3A_576 = arith.constant 16 : index
        %get3A_577 = tpu.vector_load %get3A_574[%get3A_575, %get3A_576] {strides = array<i32>} : memref<64x128xf32, #tpu.memory_space<vmem>>, vector<16xf32>,
        %mul3A_578 = arith.mulf %get3A_570, %get3A_577 : vector<16xf32>
        %get3A_579 = arith.constant 0 : i32
        %get3A_580 = arith.constant 0 : i32
        %get3A_581 = tpu.memref_slice %arg9[%and3A_99, %get3A_579, %get3A_580] : memref<4x64x128xf32, #tpu.memory_space<vmem>> -> memref<1x64x128xf32, #tpu.memory_space<vmem>>
        %get3A_582 = tpu.memref_squeeze %get3A_581 : memref<1x64x128xf32, #tpu.memory_space<vmem>> -> memref<64x128xf32, #tpu.memory_space<vmem>>
        %get3A_583 = arith.index_cast %add3A_548 : i32 to index
        %get3A_584 = arith.constant 32 : index
        %get3A_585 = tpu.vector_load %get3A_582[%get3A_583, %get3A_584] {strides = array<i32>} : memref<64x128xf32, #tpu.memory_space<vmem>>, vector<16xf32>,
        %get3A_586 = arith.constant 0 : i32
        %get3A_587 = arith.constant 0 : i32
        %get3A_588 = tpu.memref_slice %arg10[%and3A_99, %get3A_586, %get3A_587] : memref<4x64x128xf32, #tpu.memory_space<vmem>> -> memref<1x64x128xf32, #tpu.memory_space<vmem>>
        %get3A_589 = tpu.memref_squeeze %get3A_588 : memref<1x64x128xf32, #tpu.memory_space<vmem>> -> memref<64x128xf32, #tpu.memory_space<vmem>>
        %get3A_590 = arith.index_cast %add3A_548 : i32 to index
        %get3A_591 = arith.constant 32 : index
        %get3A_592 = tpu.vector_load %get3A_589[%get3A_590, %get3A_591] {strides = array<i32>} : memref<64x128xf32, #tpu.memory_space<vmem>>, vector<16xf32>,
        %mul3A_593 = arith.mulf %get3A_585, %get3A_592 : vector<16xf32>
        %get3A_594 = arith.constant 0 : i32
        %get3A_595 = arith.constant 0 : i32
        %get3A_596 = tpu.memref_slice %arg9[%and3A_99, %get3A_594, %get3A_595] : memref<4x64x128xf32, #tpu.memory_space<vmem>> -> memref<1x64x128xf32, #tpu.memory_space<vmem>>
        %get3A_597 = tpu.memref_squeeze %get3A_596 : memref<1x64x128xf32, #tpu.memory_space<vmem>> -> memref<64x128xf32, #tpu.memory_space<vmem>>
        %get3A_598 = arith.index_cast %add3A_548 : i32 to index
        %get3A_599 = arith.constant 48 : index
        %get3A_600 = tpu.vector_load %get3A_597[%get3A_598, %get3A_599] {strides = array<i32>} : memref<64x128xf32, #tpu.memory_space<vmem>>, vector<16xf32>,
        %get3A_601 = arith.constant 0 : i32
        %get3A_602 = arith.constant 0 : i32
        %get3A_603 = tpu.memref_slice %arg10[%and3A_99, %get3A_601, %get3A_602] : memref<4x64x128xf32, #tpu.memory_space<vmem>> -> memref<1x64x128xf32, #tpu.memory_space<vmem>>
        %get3A_604 = tpu.memref_squeeze %get3A_603 : memref<1x64x128xf32, #tpu.memory_space<vmem>> -> memref<64x128xf32, #tpu.memory_space<vmem>>
        %get3A_605 = arith.index_cast %add3A_548 : i32 to index
        %get3A_606 = arith.constant 48 : index
        %get3A_607 = tpu.vector_load %get3A_604[%get3A_605, %get3A_606] {strides = array<i32>} : memref<64x128xf32, #tpu.memory_space<vmem>>, vector<16xf32>,
        %mul3A_608 = arith.mulf %get3A_600, %get3A_607 : vector<16xf32>
        %get3A_609 = arith.constant 0 : i32
        %get3A_610 = arith.constant 0 : i32
        %get3A_611 = tpu.memref_slice %arg9[%and3A_99, %get3A_609, %get3A_610] : memref<4x64x128xf32, #tpu.memory_space<vmem>> -> memref<1x64x128xf32, #tpu.memory_space<vmem>>
        %get3A_612 = tpu.memref_squeeze %get3A_611 : memref<1x64x128xf32, #tpu.memory_space<vmem>> -> memref<64x128xf32, #tpu.memory_space<vmem>>
        %get3A_613 = arith.index_cast %add3A_548 : i32 to index
        %get3A_614 = arith.constant 64 : index
        %get3A_615 = tpu.vector_load %get3A_612[%get3A_613, %get3A_614] {strides = array<i32>} : memref<64x128xf32, #tpu.memory_space<vmem>>, vector<16xf32>,
        %get3A_616 = arith.constant 0 : i32
        %get3A_617 = arith.constant 0 : i32
        %get3A_618 = tpu.memref_slice %arg10[%and3A_99, %get3A_616, %get3A_617] : memref<4x64x128xf32, #tpu.memory_space<vmem>> -> memref<1x64x128xf32, #tpu.memory_space<vmem>>
        %get3A_619 = tpu.memref_squeeze %get3A_618 : memref<1x64x128xf32, #tpu.memory_space<vmem>> -> memref<64x128xf32, #tpu.memory_space<vmem>>
        %get3A_620 = arith.index_cast %add3A_548 : i32 to index
        %get3A_621 = arith.constant 64 : index
        %get3A_622 = tpu.vector_load %get3A_619[%get3A_620, %get3A_621] {strides = array<i32>} : memref<64x128xf32, #tpu.memory_space<vmem>>, vector<16xf32>,
        %mul3A_623 = arith.mulf %get3A_615, %get3A_622 : vector<16xf32>
        %get3A_624 = arith.constant 0 : i32
        %get3A_625 = arith.constant 0 : i32
        %get3A_626 = tpu.memref_slice %arg9[%and3A_99, %get3A_624, %get3A_625] : memref<4x64x128xf32, #tpu.memory_space<vmem>> -> memref<1x64x128xf32, #tpu.memory_space<vmem>>
        %get3A_627 = tpu.memref_squeeze %get3A_626 : memref<1x64x128xf32, #tpu.memory_space<vmem>> -> memref<64x128xf32, #tpu.memory_space<vmem>>
        %get3A_628 = arith.index_cast %add3A_548 : i32 to index
        %get3A_629 = arith.constant 80 : index
        %get3A_630 = tpu.vector_load %get3A_627[%get3A_628, %get3A_629] {strides = array<i32>} : memref<64x128xf32, #tpu.memory_space<vmem>>, vector<16xf32>,
        %get3A_631 = arith.constant 0 : i32
        %get3A_632 = arith.constant 0 : i32
        %get3A_633 = tpu.memref_slice %arg10[%and3A_99, %get3A_631, %get3A_632] : memref<4x64x128xf32, #tpu.memory_space<vmem>> -> memref<1x64x128xf32, #tpu.memory_space<vmem>>
        %get3A_634 = tpu.memref_squeeze %get3A_633 : memref<1x64x128xf32, #tpu.memory_space<vmem>> -> memref<64x128xf32, #tpu.memory_space<vmem>>
        %get3A_635 = arith.index_cast %add3A_548 : i32 to index
        %get3A_636 = arith.constant 80 : index
        %get3A_637 = tpu.vector_load %get3A_634[%get3A_635, %get3A_636] {strides = array<i32>} : memref<64x128xf32, #tpu.memory_space<vmem>>, vector<16xf32>,
        %mul3A_638 = arith.mulf %get3A_630, %get3A_637 : vector<16xf32>
        %get3A_639 = arith.constant 0 : i32
        %get3A_640 = arith.constant 0 : i32
        %get3A_641 = tpu.memref_slice %arg9[%and3A_99, %get3A_639, %get3A_640] : memref<4x64x128xf32, #tpu.memory_space<vmem>> -> memref<1x64x128xf32, #tpu.memory_space<vmem>>
        %get3A_642 = tpu.memref_squeeze %get3A_641 : memref<1x64x128xf32, #tpu.memory_space<vmem>> -> memref<64x128xf32, #tpu.memory_space<vmem>>
        %get3A_643 = arith.index_cast %add3A_548 : i32 to index
        %get3A_644 = arith.constant 96 : index
        %get3A_645 = tpu.vector_load %get3A_642[%get3A_643, %get3A_644] {strides = array<i32>} : memref<64x128xf32, #tpu.memory_space<vmem>>, vector<16xf32>,
        %get3A_646 = arith.constant 0 : i32
        %get3A_647 = arith.constant 0 : i32
        %get3A_648 = tpu.memref_slice %arg10[%and3A_99, %get3A_646, %get3A_647] : memref<4x64x128xf32, #tpu.memory_space<vmem>> -> memref<1x64x128xf32, #tpu.memory_space<vmem>>
        %get3A_649 = tpu.memref_squeeze %get3A_648 : memref<1x64x128xf32, #tpu.memory_space<vmem>> -> memref<64x128xf32, #tpu.memory_space<vmem>>
        %get3A_650 = arith.index_cast %add3A_548 : i32 to index
        %get3A_651 = arith.constant 96 : index
        %get3A_652 = tpu.vector_load %get3A_649[%get3A_650, %get3A_651] {strides = array<i32>} : memref<64x128xf32, #tpu.memory_space<vmem>>, vector<16xf32>,
        %mul3A_653 = arith.mulf %get3A_645, %get3A_652 : vector<16xf32>
        %get3A_654 = arith.constant 0 : i32
        %get3A_655 = arith.constant 0 : i32
        %get3A_656 = tpu.memref_slice %arg9[%and3A_99, %get3A_654, %get3A_655] : memref<4x64x128xf32, #tpu.memory_space<vmem>> -> memref<1x64x128xf32, #tpu.memory_space<vmem>>
        %get3A_657 = tpu.memref_squeeze %get3A_656 : memref<1x64x128xf32, #tpu.memory_space<vmem>> -> memref<64x128xf32, #tpu.memory_space<vmem>>
        %get3A_658 = arith.index_cast %add3A_548 : i32 to index
        %get3A_659 = arith.constant 112 : index
        %get3A_660 = tpu.vector_load %get3A_657[%get3A_658, %get3A_659] {strides = array<i32>} : memref<64x128xf32, #tpu.memory_space<vmem>>, vector<16xf32>,
        %get3A_661 = arith.constant 0 : i32
        %get3A_662 = arith.constant 0 : i32
        %get3A_663 = tpu.memref_slice %arg10[%and3A_99, %get3A_661, %get3A_662] : memref<4x64x128xf32, #tpu.memory_space<vmem>> -> memref<1x64x128xf32, #tpu.memory_space<vmem>>
        %get3A_664 = tpu.memref_squeeze %get3A_663 : memref<1x64x128xf32, #tpu.memory_space<vmem>> -> memref<64x128xf32, #tpu.memory_space<vmem>>
        %get3A_665 = arith.index_cast %add3A_548 : i32 to index
        %get3A_666 = arith.constant 112 : index
        %get3A_667 = tpu.vector_load %get3A_664[%get3A_665, %get3A_666] {strides = array<i32>} : memref<64x128xf32, #tpu.memory_space<vmem>>, vector<16xf32>,
        %mul3A_668 = arith.mulf %get3A_660, %get3A_667 : vector<16xf32>
        %add3A_669 = arith.addf %mul3A_563, %mul3A_578 : vector<16xf32>
        %add3A_670 = arith.addf %mul3A_593, %mul3A_608 : vector<16xf32>
        %add3A_671 = arith.addf %mul3A_623, %mul3A_638 : vector<16xf32>
        %add3A_672 = arith.addf %mul3A_653, %mul3A_668 : vector<16xf32>
        %add3A_673 = arith.addf %add3A_669, %add3A_670 : vector<16xf32>
        %add3A_674 = arith.addf %add3A_671, %add3A_672 : vector<16xf32>
        %add3A_675 = arith.addf %add3A_673, %add3A_674 : vector<16xf32>
        %and3A_676 = arith.constant 8 : i32
        %and3A_677 = vector.broadcast %and3A_676 : i32 to vector<16xi32>
        %and3A_678 = arith.andi %iota3A, %and3A_677 : vector<16xi32>
        %eq3A_679 = arith.constant 0 : i32
        %eq3A_680 = vector.broadcast %eq3A_679 : i32 to vector<16xi32>
        %eq3A_681 = arith.cmpi eq, %and3A_678, %eq3A_680 : vector<16xi32>
        %xor3A_682 = arith.constant 8 : i32
        %xor3A_683 = vector.broadcast %xor3A_682 : i32 to vector<16xi32>
        %xor3A_684 = arith.xori %iota3A, %xor3A_683 : vector<16xi32>
        %broadcast_in_dim3A_685 = vector.shape_cast %xor3A_684 : vector<16xi32> to vector<16x1xi32>
        %gather3A_686 = vector.shape_cast %broadcast_in_dim3A_685 : vector<16x1xi32> to vector<16xi32>
        %gather3A_687 = tpu.dynamic_gather %add3A_675[%gather3A_686] in [0] : vector<16xf32>, vector<16xi32> -> vector<16xf32>
        %select_n3A_688 = arith.select %eq3A_681, %add3A_546, %gather3A_687 : vector<16xi1>, vector<16xf32>
        %xor3A_689 = arith.constant 8 : i32
        %xor3A_690 = vector.broadcast %xor3A_689 : i32 to vector<16xi32>
        %xor3A_691 = arith.xori %iota3A, %xor3A_690 : vector<16xi32>
        %broadcast_in_dim3A_692 = vector.shape_cast %xor3A_691 : vector<16xi32> to vector<16x1xi32>
        %gather3A_693 = vector.shape_cast %broadcast_in_dim3A_692 : vector<16x1xi32> to vector<16xi32>
        %gather3A_694 = tpu.dynamic_gather %add3A_546[%gather3A_693] in [0] : vector<16xf32>, vector<16xi32> -> vector<16xf32>
        %select_n3A_695 = arith.select %eq3A_681, %gather3A_694, %add3A_675 : vector<16xi1>, vector<16xf32>
        %add3A_696 = arith.addf %select_n3A_688, %select_n3A_695 : vector<16xf32>
        %and3A_697 = arith.constant 4 : i32
        %and3A_698 = vector.broadcast %and3A_697 : i32 to vector<16xi32>
        %and3A_699 = arith.andi %iota3A, %and3A_698 : vector<16xi32>
        %eq3A_700 = arith.constant 0 : i32
        %eq3A_701 = vector.broadcast %eq3A_700 : i32 to vector<16xi32>
        %eq3A_702 = arith.cmpi eq, %and3A_699, %eq3A_701 : vector<16xi32>
        %xor3A_703 = arith.constant 4 : i32
        %xor3A_704 = vector.broadcast %xor3A_703 : i32 to vector<16xi32>
        %xor3A_705 = arith.xori %iota3A, %xor3A_704 : vector<16xi32>
        %broadcast_in_dim3A_706 = vector.shape_cast %xor3A_705 : vector<16xi32> to vector<16x1xi32>
        %gather3A_707 = vector.shape_cast %broadcast_in_dim3A_706 : vector<16x1xi32> to vector<16xi32>
        %gather3A_708 = tpu.dynamic_gather %add3A_696[%gather3A_707] in [0] : vector<16xf32>, vector<16xi32> -> vector<16xf32>
        %select_n3A_709 = arith.select %eq3A_702, %add3A_417, %gather3A_708 : vector<16xi1>, vector<16xf32>
        %xor3A_710 = arith.constant 4 : i32
        %xor3A_711 = vector.broadcast %xor3A_710 : i32 to vector<16xi32>
        %xor3A_712 = arith.xori %iota3A, %xor3A_711 : vector<16xi32>
        %broadcast_in_dim3A_713 = vector.shape_cast %xor3A_712 : vector<16xi32> to vector<16x1xi32>
        %gather3A_714 = vector.shape_cast %broadcast_in_dim3A_713 : vector<16x1xi32> to vector<16xi32>
        %gather3A_715 = tpu.dynamic_gather %add3A_417[%gather3A_714] in [0] : vector<16xf32>, vector<16xi32> -> vector<16xf32>
        %select_n3A_716 = arith.select %eq3A_702, %gather3A_715, %add3A_696 : vector<16xi1>, vector<16xf32>
        %add3A_717 = arith.addf %select_n3A_709, %select_n3A_716 : vector<16xf32>
        %xor3A_718 = arith.constant 2 : i32
        %xor3A_719 = vector.broadcast %xor3A_718 : i32 to vector<16xi32>
        %xor3A_720 = arith.xori %iota3A, %xor3A_719 : vector<16xi32>
        %broadcast_in_dim3A_721 = vector.shape_cast %xor3A_720 : vector<16xi32> to vector<16x1xi32>
        %gather3A_722 = vector.shape_cast %broadcast_in_dim3A_721 : vector<16x1xi32> to vector<16xi32>
        %gather3A_723 = tpu.dynamic_gather %add3A_717[%gather3A_722] in [0] : vector<16xf32>, vector<16xi32> -> vector<16xf32>
        %add3A_724 = arith.addf %add3A_717, %gather3A_723 : vector<16xf32>
        %xor3A_725 = arith.constant 1 : i32
        %xor3A_726 = vector.broadcast %xor3A_725 : i32 to vector<16xi32>
        %xor3A_727 = arith.xori %iota3A, %xor3A_726 : vector<16xi32>
        %broadcast_in_dim3A_728 = vector.shape_cast %xor3A_727 : vector<16xi32> to vector<16x1xi32>
        %gather3A_729 = vector.shape_cast %broadcast_in_dim3A_728 : vector<16x1xi32> to vector<16xi32>
        %gather3A_730 = tpu.dynamic_gather %add3A_724[%gather3A_729] in [0] : vector<16xf32>, vector<16xi32> -> vector<16xf32>
        %add3A_731 = arith.addf %add3A_724, %gather3A_730 : vector<16xf32>
        %mul3A_732 = arith.constant 64 : i32
        %mul3A_733 = arith.muli %add3A_97, %mul3A_732 : i32
        %add3A_734 = arith.addi %mul3A_733, %add3A_145 : i32
        %swap3A = arith.index_cast %add3A_734 : i32 to index
        %swap3A_735 = tpu.vector_load %arg11[%swap3A] masked %eq3A_30 {strides = array<i32>} : memref<528xf32, #tpu.memory_space<vmem>>, vector<16xf32>, vector<16xi1>
        tpu.vector_store %arg11[%swap3A], %add3A_731 masked %eq3A_30 {strides = array<i32>} : memref<528xf32, #tpu.memory_space<vmem>>, vector<16xf32>, vector<16xi1>
      }
      %scan3A_140 = arith.constant 16 : i32
    }
    %scan3A_92 = arith.constant 8 : i32
    "tpu.region"() ({
      %run_scoped3A = tpu.sem_alloc : memref<!tpu.dma_semaphore, #tpu.memory_space<semaphore_mem>>
      %dma_start3A_93 = arith.constant 0 : i32
      %dma_start3A_94 = tpu.memref_slice %arg11[%dma_start3A_93] : memref<528xf32, #tpu.memory_space<vmem>> -> memref<512xf32, #tpu.memory_space<vmem>>
      %dma_start3A_95 = tpu.memref_slice %arg6[%mul3A_2] : memref<16384xf32, #tpu.memory_space<hbm>> -> memref<512xf32, #tpu.memory_space<hbm>>
      %dma_start3A_96 = tpu.memref_slice %arg6[%mul3A_2] : memref<16384xf32, #tpu.memory_space<hbm>> -> memref<512xf32, #tpu.memory_space<hbm>>
      %dma_start3A_97 = arith.constant 0 : i32
      %dma_start3A_98 = tpu.memref_slice %arg11[%dma_start3A_97] : memref<528xf32, #tpu.memory_space<vmem>> -> memref<512xf32, #tpu.memory_space<vmem>>
      tpu.enqueue_dma source(%dma_start3A_98 : memref<512xf32, #tpu.memory_space<vmem>>) target(%dma_start3A_96 : memref<512xf32, #tpu.memory_space<hbm>>) target_semaphore(%run_scoped3A : memref<!tpu.dma_semaphore, #tpu.memory_space<semaphore_mem>>)
      %dma_wait3A_99 = arith.constant 0 : i32
      %dma_wait3A_100 = tpu.memref_slice %arg11[%dma_wait3A_99] : memref<528xf32, #tpu.memory_space<vmem>> -> memref<512xf32, #tpu.memory_space<vmem>>
      %dma_wait3A_101 = tpu.memref_slice %arg6[%mul3A_2] : memref<16384xf32, #tpu.memory_space<hbm>> -> memref<512xf32, #tpu.memory_space<hbm>>
      %dma_wait3A_102 = tpu.memref_slice %arg6[%mul3A_2] : memref<16384xf32, #tpu.memory_space<hbm>> -> memref<512xf32, #tpu.memory_space<hbm>>
      %dma_wait3A_103 = arith.constant 0 : i32
      %dma_wait3A_104 = tpu.memref_slice %arg11[%dma_wait3A_103] : memref<528xf32, #tpu.memory_space<vmem>> -> memref<512xf32, #tpu.memory_space<vmem>>
      tpu.wait_dma2 semaphore(%run_scoped3A : memref<!tpu.dma_semaphore, #tpu.memory_space<semaphore_mem>>) src(%dma_wait3A_104 : memref<512xf32, #tpu.memory_space<vmem>>) dst(%dma_wait3A_102 : memref<512xf32, #tpu.memory_space<hbm>>)
      tpu.yield
    }) : () -> ()
    return
  }
}

</mosaic_0001>

<sc_bundles>
// kernel: kernel.3.cloned.1.call-start
scs
__scs_entry_jumppad:
0x0: {  	(pc) =	sbr.rel $0x88, $3  }
0x1: {  	(tag) =	ssettag $0x0;
	lr =	simm.s32 $0x1  }
0x2: {  	[smem:$0x3F9D] =	sst lr;
	_ =	strace $0xD0000000  }
0x3: {  	_ = 	snop  }
0x4: {  	_ = 	snop  }
0x5: {  	_ = 	snop  }
0x6: {  	_ = 	snop  }
0x7: {  	_ = 	snop  }
__scs_overlays_trampoline_lowered:
0x8: {  	[smem:$0x3FAC] =	sst s0  }
0x9: {  	[smem:$0x3FAD] =	sst s1  }
0xa: {  	[smem:$0x3FAE] =	sst s2  }
0xb: {  	[smem:$0x3FAF] =	sst s3  }
0xc: {  	[smem:$0x3FB0] =	sst s4  }
0xd: {  	[smem:$0x3FB1] =	sst s5  }
0xe: {  	[smem:$0x3FB2] =	sst s6  }
0xf: {  	[smem:$0x3FB3] =	sst s7  }
0x10: {  	[smem:$0x3FB4] =	sst s8  }
0x11: {  	[smem:$0x3FB5] =	sst s9;
	s0 =	simm.s32 @!p0 $0x0  }
0x12: {  	s1 =	sld [smem:$0x3F9B];
	s0 =	simm.s32 @p0 $0x1  }
0x13: {  	[smem:$0x3FB6] =	sst s0;
	s0 =	simm.s32 @!p1 $0x0  }
0x14: {  	s2 =	sld [smem:$0x3F9A];
	s0 =	simm.s32 @p1 $0x1  }
0x15: {  	[smem:$0x3FB7] =	sst s0;
	s0 =	simm.s32 @!p2 $0x0  }
0x16: {  	s3 =	sld [smem:$0x3FDB];
	s0 =	simm.s32 @p2 $0x1  }
0x17: {  	s4 =	simm.s32 $0x1BF5;
	[smem:$0x3FB9] =	sst s0  }
0x18: {  	s0 =	sld [smem:$0x3F9C];
	_ =	swait.ge [sflag:s4], $0x0  }
0x19: {  	s7 =	sld [smem:$0x3F9D]  }
0x1a: {  	s8 =	sadd.s32 $0xFFFFE003, lr  }
0x1b: {  	s9 =	sadd.s32 $0xFFFFFEF7, lr;
	s5 =	simm.s32 $0xFFFFFFFF;
	p2 =	slt.u32 s8, $0xFFFFF086  }
0x1c: {  	p1 =	slt.u32 s9, $0xF7A;
	s5 =	simm.s32 @!p2 $0x0  }
0x1d: {  	s5 =	simm.s32 @p1 $0x1;
	p0 =	seq.s32 s7, s2  }
0x1e: {  	s7 =	smul.u32 @!p0 $0xF7A, s2;
	p2 =	seq.s32 @!p0 s5, $0x0  }
0x1f: {  	s9 =	smul.u32 $0xF7A, s1;
	s8 =	simm.s32 @!p0 $0x1BF5;
	p2 =	por !p2, p0  }
0x20: {  	[sflag:s8] =	ssyncset.s32 @!p0 $0xFFFFF086;
	s6 =	sadd.s32 @!p0 s3, s7;
	s7 =	simm.s32 @!p0 $0x108  }
0x21: {  	s3 =	sadd.s32 s3, s9;
	s6 =	sadd.s32 @!p0 $0x88, s6;
	s7 =	simm.s32 @p2 $0x1082  }
0x22: {  	[simem:s7], [sflag:s8] =	dma.local @!p0 [hbm:s6], $0xF7A  }
0x23: {  	s9 =	sor.u32 $0xD0000000, s2;
	s6 =	simm.s32 $0x108;
	_ =	swait.ge @!p0 [sflag:s8], $0x0  }
0x24: {  	s3 =	sadd.s32 $0x88, s3;
	s6 =	simm.s32 @!p1 $0x1082;
	[sflag:s4] =	ssyncset.s32 $0xFFFFF086  }
0x25: {  	[simem:s6], [sflag:s4] =	dma.local [hbm:s3], $0xF7A  }
0x26: {  	[smem:$0x3F9D] =	sst s1;
	(tag) =	ssettag s2;
	_ =	strace s9  }
0x27: {  	s1 =	sld [smem:$0x3FAD]  }
0x28: {  	s2 =	sld [smem:$0x3FAE]  }
0x29: {  	s4 =	sld [smem:$0x3FB0]  }
0x2a: {  	p0 =	seq.s32 s5, $0x0;
	s5 =	sld [smem:$0x3FB1]  }
0x2b: {  	s6 =	sld [smem:$0x3FB2]  }
0x2c: {  	s7 =	sld [smem:$0x3FB3]  }
0x2d: {  	s3 =	simm.s32 $0x108;
	s8 =	sld [smem:$0x3FB4]  }
0x2e: {  	s3 =	simm.s32 @!p0 $0x1082;
	s9 =	sld [smem:$0x3FB5]  }
0x2f: {  	lr =	sadd.s32 s0, s3;
	s0 =	sld [smem:$0x3FAC]  }
0x30: {  	s3 =	sld [smem:$0x3FAF]  }
0x31: {  	[smem:$0x3FB8] =	sst s10  }
0x32: {  	s10 =	sld [smem:$0x3FB6];
	_ =	sdelay $0x3  }
0x33: {  	p0 =	seq.s32 s10, $0x1;
	s10 =	sld [smem:$0x3FB8];
	_ =	sdelay $0x3  }
0x34: {  	[smem:$0x3FB8] =	sst s10  }
0x35: {  	s10 =	sld [smem:$0x3FB7];
	_ =	sdelay $0x3  }
0x36: {  	p1 =	seq.s32 s10, $0x1;
	s10 =	sld [smem:$0x3FB8];
	_ =	sdelay $0x3  }
0x37: {  	[smem:$0x3FB8] =	sst s10  }
0x38: {  	s10 =	sld [smem:$0x3FB9]  }
0x39: {  	_ = 	snop;
	(pc) =	sbr.ind lr, $3  }
0x3a: {  	_ = 	snop  }
0x3b: {  	_ = 	snop  }
0x3c: {  	p2 =	seq.s32 s10, $0x1;
	s10 =	sld [smem:$0x3FB8]  }
0x3d: {  	_ =	shalt  }
0x3e: {  	_ =	shalt  }
0x3f: {  	_ =	shalt  }
0x40: {  	_ =	shalt  }
0x41: {  	_ =	shalt  }
0x42: {  	_ =	shalt  }
0x43: {  	_ =	shalt  }
0x44: {  	_ =	shalt  }
0x45: {  	_ =	shalt  }
0x46: {  	_ =	shalt  }
0x47: {  	_ =	shalt  }
0x48: {  	_ =	shalt  }
0x49: {  	_ =	shalt  }
0x4a: {  	_ =	shalt  }
0x4b: {  	_ =	shalt  }
0x4c: {  	_ =	shalt  }
0x4d: {  	_ =	shalt  }
0x4e: {  	_ =	shalt  }
0x4f: {  	_ =	shalt  }
0x50: {  	_ =	shalt  }
0x51: {  	_ =	shalt  }
0x52: {  	_ =	shalt  }
0x53: {  	_ =	shalt  }
0x54: {  	_ =	shalt  }
0x55: {  	_ =	shalt  }
0x56: {  	_ =	shalt  }
0x57: {  	_ =	shalt  }
0x58: {  	_ =	shalt  }
0x59: {  	_ =	shalt  }
0x5a: {  	_ =	shalt  }
0x5b: {  	_ =	shalt  }
0x5c: {  	_ =	shalt  }
0x5d: {  	_ =	shalt  }
0x5e: {  	_ =	shalt  }
0x5f: {  	_ =	shalt  }
0x60: {  	_ =	shalt  }
0x61: {  	_ =	shalt  }
0x62: {  	_ =	shalt  }
0x63: {  	_ =	shalt  }
0x64: {  	_ =	shalt  }
0x65: {  	_ =	shalt  }
0x66: {  	_ =	shalt  }
0x67: {  	_ =	shalt  }
0x68: {  	_ =	shalt  }
0x69: {  	_ =	shalt  }
0x6a: {  	_ =	shalt  }
0x6b: {  	_ =	shalt  }
0x6c: {  	_ =	shalt  }
0x6d: {  	_ =	shalt  }
0x6e: {  	_ =	shalt  }
0x6f: {  	_ =	shalt  }
0x70: {  	_ =	shalt  }
0x71: {  	_ =	shalt  }
0x72: {  	_ =	shalt  }
0x73: {  	_ =	shalt  }
0x74: {  	_ =	shalt  }
0x75: {  	_ =	shalt  }
0x76: {  	_ =	shalt  }
0x77: {  	_ =	shalt  }
0x78: {  	_ =	shalt  }
0x79: {  	_ =	shalt  }
0x7a: {  	_ =	shalt  }
0x7b: {  	_ =	shalt  }
0x7c: {  	_ =	shalt  }
0x7d: {  	_ =	shalt  }
0x7e: {  	_ =	shalt  }
0x7f: {  	_ =	shalt  }
0x80: {  	_ =	shalt  }
0x81: {  	_ =	shalt  }
0x82: {  	_ =	shalt  }
0x83: {  	_ =	shalt  }
0x84: {  	_ =	shalt  }
0x85: {  	_ =	shalt  }
0x86: {  	_ =	shalt  }
0x87: {  	_ =	shalt  }
.Lfunc_end0:
.L_simem_size_0:
called_computation_lowered:
.L_overlay_start_0:
0x88: {  	s2 =	sld [smem:$0x3FD9]  }
0x89: {  	s3 =	sld [smem:$0x3FFE];
	_ =	sdelay $0x1  }
0x8a: {  	s1 =	srdreg.scid  }
0x8b: {  	s0 =	sand.u32 $0x1, s1  }
0x8c: {  	s18 =	sshll.u32 s0, $0xA;
	s2 =	sadd.s32 s3, s2  }
0x8d: {  	s2 =	sadd.s32 s2, s18  }
0x8e: {  	[smem:$0x3FC4] =	sst s2  }
0x8f: {  	_ = 	snop  }
0x90: {  	s2 =	sld [smem:$0x3FC9]  }
0x91: {  	s19 =	sld [smem:$0x3FC8]  }
0x92: {  	s4 =	sld [smem:$0x3FC7]  }
0x93: {  	s5 =	sld [smem:$0x3FC6]  }
0x94: {  	s6 =	sld [smem:$0x3FD0];
	(tm) =	ssettm $0x1  }
0x95: {  	s7 =	sld [smem:$0x3FFB];
	_ =	sdelay $0x3  }
0x96: {  	_ =	strace s7  }
0x97: {  	s7 =	sld [smem:$0x3FFC];
	_ =	sdelay $0x3  }
0x98: {  	_ =	strace s7  }
0x99: {  	s7 =	sld [smem:$0x3FFD];
	_ =	sdelay $0x3  }
0x9a: {  	_ =	strace s7  }
0x9b: {  	_ =	strace $0x8FFFFFFF  }
0x9c: {  	s20 =	sld [smem:$0x3FDB];
	_ =	sdelay $0x1  }
0x9d: {  	s8 =	simm.s32 $_scs_section_size  }
0x9e: {  	s9 =	simm.s32 $_size__tile_overlayer_lowered;
	s10 =	simm.s32 $_tile_overlayer_lowered  }
0x9f: {  	s23 =	simm.s32 $0x1BFF;
	s22 =	sshll.u32 s10, $0x1;
	s7 =	sadd.s32 s8, s20  }
0xa0: {  	s11 =	simm.s32 $0x0;
	s21 =	sshll.u32 s9, $0x1;
	s9 =	sadd.s32 s22, s7  }
0xa1: {  	[timem:s11], [sflag:s23] =	dma.local [hbm:s9], s21  }
0xa2: {  	_ =	swait.ge [sflag:s23], s21  }
0xa3: {  	s8 =	ssub.s32 $0x0, s21;
	[sflag:s23] =	ssyncset.done $0x0  }
0xa4: {  	[sflag:s23] =	ssyncadd.s32 s8;
	_ =	sdelay $0x1  }
0xa5: {  	s24 =	simm.s32 $0x1B8B  }
0xa6: {  	_ =	swait.ge [sflag:s24], $0x1  }
0xa7: {  	[sflag:s24] =	ssyncset.done $0x0  }
0xa8: {  	s25 =	simm.s32 $0x1B8E;
	[sflag:s24] =	ssyncadd.s32 $0xFFFFFFFF  }
0xa9: {  	s26 =	simm.s32 $execute0_lowered;
	[smem:$0x3FD2] =	sst s25  }
0xaa: {  	s8 =	sshll.u32 s26, $0x1;
	_ =	strace $0x80000046;
	[dreg:$0x1] =	wrdreg $0xFFFFFFFF  }
0xab: {  	s28 =	simm.s32 $_size_execute0_lowered;
	s7 =	sadd.s32 s7, s8;
	[dreg:$0x0] =	wrdreg $0x0  }
0xac: {  	s8 =	sshll.u32 s28, $0x1;
	[dreg:$0x2] =	wrdreg s7  }
0xad: {  	[dreg:$0x3] =	wrdreg s8  }
0xae: {  	[dreg:$0x4] =	wrdreg $0xC0  }
0xaf: {  	_ =	task [dreg:s11], $0x5FFFF  }
0xb0: {  	[dreg:$0x1] =	wrdreg $0xFFFFFFFF  }
0xb1: {  	[dreg:$0x0] =	wrdreg $0x60  }
0xb2: {  	[dreg:$0x2] =	wrdreg s2  }
0xb3: {  	[dreg:$0x3] =	wrdreg s19  }
0xb4: {  	[dreg:$0x4] =	wrdreg s4  }
0xb5: {  	[dreg:$0x5] =	wrdreg s5  }
0xb6: {  	[dreg:$0x6] =	wrdreg s6  }
0xb7: {  	[dreg:$0x7] =	wrdreg $0x9  }
0xb8: {  	_ =	task.clear_ibuf [dreg:s11], $0x8FFFF;
	_ =	strace $0x90000046  }
0xb9: {  	s29 =	simm.s32 $0x9;
	_ =	strace $0x80000048  }
0xba: {  	_ =	swait.ge [sflag:s29], $0x1  }
0xbb: {  	[sflag:s29] =	ssyncadd.s32 $0xFFFFFFFF  }
0xbc: {  	_ =	strace $0x90000048  }
0xbd: {  	_ =	sfence  }
0xbe: {  	s30 =	sld [smem:$0x0];
	_ =	sdelay $0x2  }
0xbf: {  	s31 =	sshll.u32 s1, $0xD;
	s1 =	sshrl.u32 s1, $0x2  }
0xc0: {  	s3 =	sand.u32 $0x4000, s31;
	s1 =	sadd.s32 s1, s30  }
0xc1: {  	s0 =	sor.u32 s3, s0;
	s1 =	sshll.u32 s1, $0x11  }
0xc2: {  	s0 =	sor.u32 s1, s0  }
0xc3: {  	s0 =	sadd.s32 $0x8F2B, s0  }
0xc4: {  	[sflag:s0] =	ssyncadd.remote.s32 $0x1  }
0xc5: {  	_ =	sfence.sel $0xFFFF  }
0xc6: {  	[dreg:$0x0] =	wrdreg $0xFFFFFFFF;
	(pc) =	sbr.abs _section_cstart, $3  }
0xc7: {  	[dreg:$0x1] =	wrdreg $0xFFFFFFFF  }
0xc8: {  	_ =	task.clear_ibuf [dreg:s11], $0x2FFFF;
	_ =	strace $0x9FFFFFFF  }
0xc9: {  	(tm) =	ssettm $0x7FFFFFFF  }
tec
execute0_lowered:
.L_overlay_start_1:
0x0: {  	(tag) =	ssettag $0x1  }
0x1: {  	s5 =	rddreg [dreg:$0x0]  }
0x2: {  	v0 =	vimm.s32 $0xFEDCBA98;
	s6 =	rddreg [dreg:$0x1];
	v1 =	vimm.s32 $0x76543210  }
0x3: {  	s0 =	rddreg [dreg:$0x2];
	v2 =	vimm.s32 $0xBA98FEDC;
	v3 =	vimm.s32 $0x32107654;
	v4 =	vimm.s32 $0xDCFE98BA  }
0x4: {  	s1 =	rddreg [dreg:$0x3];
	v5 =	vimm.s32 $0x54761032;
	v6 =	vimm.s32 $0xEFCDAB89;
	v7 =	vimm.s32 $0x67452301  }
0x5: {  	s7 =	rddreg [dreg:$0x4];
	vm0 =	vcmask $0x2F20;
	vm1 =	vcmask $0xF00;
	vm2 =	vcmask $0x1310  }
0x6: {  	s2 =	rddreg [dreg:$0x5];
	s8 =	srdreg.scid;
	vm3 =	vcmask $0x300;
	v0 =	vunpack.c.l.s4.s8 v0;
	v1 =	vunpack.c.l.s4.s8 v1  }
0x7: {  	s4 =	simm.s32 $0x0;
	s3 =	stileid.u32;
	s12 =	simm.s32 $0x40;
	v2 =	vunpack.c.l.s4.s8 v2;
	v3 =	vunpack.c.l.s4.s8 v3;
	v4 =	vunpack.c.l.s4.s8 v4  }
0x8: {  	s13 =	simm.s32 $0x400;
	s14 =	simm.s32 $0x8400;
	s15 =	simm.s32 $0x2400;
	v5 =	vunpack.c.l.s4.s8 v5;
	v6 =	vunpack.c.l.s4.s8 v6;
	vm0 =	vmor vm1, vm0  }
0x9: {  	s16 =	simm.s32 $0x240;
	s17 =	simm.s32 $0xA400;
	s18 =	simm.s32 $0x10400;
	v0 =	vunpack.c.0.s8.s32 v0;
	v2 =	vunpack.c.0.s8.s32 v2;
	v3 =	vunpack.c.0.s8.s32 v3  }
0xa: {  	s19 =	simm.s32 $0x5;
	s20 =	simm.s32 $0x0;
	s8 =	sand.u32 $0x1, s8;
	v1 =	vunpack.c.0.s8.s32 v1;
	v4 =	vunpack.c.0.s8.s32 v4;
	v5 =	vunpack.c.0.s8.s32 v5  }
0xb: {  	s10 =	sshll.u32 s3, $0x7;
	[smem:$0x7FF] =	sst s4;
	s9 =	ssub.s32 $0x2, s8;
	v0 =	vand.u32 $0xF, v0;
	v3 =	vcombine.low v3, v2;
	v2 =	vunpack.c.l.s4.s8 v7  }
0xc: {  	vm1 =	vmor vm3, vm2;
	vm2 =	vcmask $0x2320;
	s8 =	sshll.u32 s8, $0x6;
	_ =	strace $0x80000047;
	s11 =	sshrl.u32 s9, $0x1;
	v0 =	vcombine.low v0, v1  }
0xd: {  	s8 =	sor.u32 s8, s10;
	s10 =	simm.s32 $0x1;
	s9 =	ssub.s32 s9, s11;
	v1 =	vcombine.low v5, v4;
	v4 =	vunpack.c.0.s8.s32 v6;
	v2 =	vunpack.c.0.s8.s32 v2  }
0xe: {  	vm3 =	vcmask $0x3330;
	vm2 =	vmor vm1, vm2;
	vm1 =	vmmov $0xff;
	s5 =	sadd.s32 s5, s8;
	s6 =	sadd.s32 s6, s8;
	s7 =	sadd.s32 s7, s8  }
0xf: {  	vm2 =	vmor vm2, vm3;
	s11 =	simm.s32 $0x2;
	s8 =	smax.u32 s9, $0x1;
	s9 =	simm.s32 $0x200;
	v3 =	vand.u32 $0xF, v3;
	v2 =	vcombine.low v2, v4  }
.LBB2_1:
0x10: {  	[tilespmem:s4], [sflag:$0x1] =	stream.linear.gather [hbm4b:s5+s4], $0x200, $0x38;
	[tilespmem:$0x10680] =	vst v63  }
0x11: {  	_ = 	snop  }
0x12: {  	[tilespmem:s9], [sflag:$0x2] =	stream.linear.gather [hbm4b:s6+s4], $0x200, $0x38;
	[tilespmem:$0x10680] =	vst v63  }
0x13: {  	_ =	swait.ge [sflag:s10], $0x200  }
0x14: {  	[sflag:s10] =	ssyncset.done $0x0  }
0x15: {  	[sflag:s10] =	ssyncadd.s32 $0xFFFFFE00  }
0x16: {  	_ =	swait.ge [sflag:s11], $0x200  }
0x17: {  	[sflag:s11] =	ssyncset.done $0x0  }
0x18: {  	[sflag:s11] =	ssyncadd.s32 $0xFFFFFE00  }
0x19: {  	[tilespmem:s13], [sflag:$0x1] =	stream.indirect.gather [hbm4b:s0+s12], $0x80, s4, s12, $0xb8;
	[tilespmem:$0x10680] =	vst v63  }
0x1a: {  	_ = 	snop  }
0x1b: {  	[tilespmem:s14], [sflag:$0x1] =	stream.indirect.gather [hbm4b:s1+s12], $0x80, s9, s12, $0xb8;
	[tilespmem:$0x10680] =	vst v63  }
0x1c: {  	_ = 	snop  }
0x1d: {  	[tilespmem:s15], [sflag:$0x2] =	stream.indirect.gather [hbm4b:s0+s12], $0x80, s12, s12, $0xb8;
	[tilespmem:$0x10680] =	vst v63  }
0x1e: {  	s21 =	simm.s32 $0x0;
	s22 =	simm.s32 $0x10400;
	s23 =	simm.s32 $0x0  }
0x1f: {  	[tilespmem:s17], [sflag:$0x2] =	stream.indirect.gather [hbm4b:s1+s12], $0x80, s16, s12, $0xb8;
	[tilespmem:$0x10680] =	vst v63  }
.LBB2_2:
0x20: {  	s24 =	sand.u32 $0x3, s23  }
0x21: {  	s24 =	sadd.s32 $0x1, s24  }
0x22: {  	_ =	swait.ge [sflag:s24], $0x2000  }
0x23: {  	s25 =	sshll.u32 s21, $0xD;
	[sflag:s24] =	ssyncset.done $0x0  }
0x24: {  	p0 =	sgt.u32 s23, $0x5;
	s25 =	sand.u32 $0x6000, s25;
	[sflag:s24] =	ssyncadd.s32 $0xFFFFE000  }
0x25: {  	s28 =	sadd.s32 @!p0 $0x2, s23;
	s26 =	sor.u32 $0x5F0, s25;
	_ =	swait.ge [sflag:s24], $0x2000  }
0x26: {  	s25 =	sor.u32 $0x85F0, s25;
	s29 =	sand.u32 @!p0 $0x3, s28;
	[sflag:s24] =	ssyncset.done $0x0  }
0x27: {  	[sflag:s24] =	ssyncadd.s32 $0xFFFFE000;
	s24 =	sshll.u32 @!p0 s28, $0x6;
	s28 =	sshll.u32 @!p0 s29, $0xD  }
0x28: {  	s31 =	simm.s32 @!p0 $0x40;
	v5 =	vmov s25;
	s29 =	sadd.s32 @!p0 $0x1, s29;
	s30 =	sor.u32 @!p0 $0x400, s28  }
0x29: {  	v4 =	vmov s26;
	[tilespmem:s30], [sflag:s29] =	stream.indirect.gather @!p0 [hbm4b:s0+s31], $0x80, s24, s31, $0xb8;
	[tilespmem:$0x10680] =	vst v63  }
0x2a: {  	s25 =	sor.u32 @!p0 $0x8400, s28;
	s24 =	sadd.s32 @!p0 $0x200, s24  }
0x2b: {  	[tilespmem:s25], [sflag:s29] =	stream.indirect.gather @!p0 [hbm4b:s1+s31], $0x80, s24, s31, $0xb8;
	[tilespmem:$0x10680] =	vst v63  }
0x2c: {  	s31 =	simm.s32 $0x0  }
0x2d: {  	v6 =	vld.idx.msk [tilespmem:v5+s31+$0xFFFFFF00 ss:$0x1], $0xffff  }
0x2e: {  	v7 =	vld.idx.msk [tilespmem:v4+s31+$0xFFFFFF00 ss:$0x1], $0xffff  }
0x2f: {  	v8 =	vld.idx.msk [tilespmem:v5+s31+$0xFFFFFEF0 ss:$0x1], $0xffff  }
0x30: {  	v9 =	vld.idx.msk [tilespmem:v4+s31+$0xFFFFFEF0 ss:$0x1], $0xffff  }
0x31: {  	v10 =	vld.idx.msk [tilespmem:v5+s31+$0xFFFFFEE0 ss:$0x1], $0xffff  }
0x32: {  	v11 =	vld.idx.msk [tilespmem:v4+s31+$0xFFFFFEE0 ss:$0x1], $0xffff  }
0x33: {  	v12 =	vld.idx.msk [tilespmem:v5+s31+$0xFFFFFED0 ss:$0x1], $0xffff  }
0x34: {  	v13 =	vld.idx.msk [tilespmem:v4+s31+$0xFFFFFED0 ss:$0x1], $0xffff  }
0x35: {  	v14 =	vld.idx.msk [tilespmem:v5+s31+$0xFFFFFEC0 ss:$0x1], $0xffff  }
0x36: {  	v15 =	vld.idx.msk [tilespmem:v4+s31+$0xFFFFFEC0 ss:$0x1], $0xffff  }
0x37: {  	v16 =	vld.idx.msk [tilespmem:v5+s31+$0xFFFFFEB0 ss:$0x1], $0xffff  }
0x38: {  	v17 =	vld.idx.msk [tilespmem:v4+s31+$0xFFFFFEB0 ss:$0x1], $0xffff  }
0x39: {  	v18 =	vld.idx.msk [tilespmem:v5+s31+$0xFFFFFEA0 ss:$0x1], $0xffff  }
0x3a: {  	v19 =	vld.idx.msk [tilespmem:v4+s31+$0xFFFFFEA0 ss:$0x1], $0xffff  }
0x3b: {  	v20 =	vld.idx.msk [tilespmem:v5+s31+$0xFFFFFE90 ss:$0x1], $0xffff  }
0x3c: {  	v21 =	vld.idx.msk [tilespmem:v4+s31+$0xFFFFFE90 ss:$0x1], $0xffff  }
0x3d: {  	v22 =	vld.idx.msk [tilespmem:v5+s31+$0x0 ss:$0x1], $0xffff  }
0x3e: {  	v23 =	vld.idx.msk [tilespmem:v4+s31+$0x0 ss:$0x1], $0xffff  }
0x3f: {  	v24 =	vld.idx.msk [tilespmem:v5+s31+$0xFFFFFFF0 ss:$0x1], $0xffff  }
0x40: {  	v25 =	vld.idx.msk [tilespmem:v4+s31+$0xFFFFFFF0 ss:$0x1], $0xffff  }
0x41: {  	v26 =	vld.idx.msk [tilespmem:v5+s31+$0xFFFFFFE0 ss:$0x1], $0xffff  }
0x42: {  	v27 =	vld.idx.msk [tilespmem:v4+s31+$0xFFFFFFE0 ss:$0x1], $0xffff  }
0x43: {  	v28 =	vld.idx.msk [tilespmem:v5+s31+$0xFFFFFFD0 ss:$0x1], $0xffff  }
0x44: {  	v29 =	vld.idx.msk [tilespmem:v4+s31+$0xFFFFFFD0 ss:$0x1], $0xffff  }
0x45: {  	v30 =	vld.idx.msk [tilespmem:v5+s31+$0xFFFFFFC0 ss:$0x1], $0xffff  }
0x46: {  	v31 =	vld.idx.msk [tilespmem:v4+s31+$0xFFFFFFC0 ss:$0x1], $0xffff  }
0x47: {  	v32 =	vld.idx.msk [tilespmem:v5+s31+$0xFFFFFFB0 ss:$0x1], $0xffff  }
0x48: {  	v33 =	vld.idx.msk [tilespmem:v4+s31+$0xFFFFFFB0 ss:$0x1], $0xffff  }
0x49: {  	v34 =	vld.idx.msk [tilespmem:v5+s31+$0xFFFFFFA0 ss:$0x1], $0xffff  }
0x4a: {  	v35 =	vld.idx.msk [tilespmem:v4+s31+$0xFFFFFFA0 ss:$0x1], $0xffff  }
0x4b: {  	v36 =	vld.idx.msk [tilespmem:v5+s31+$0xFFFFFF90 ss:$0x1], $0xffff  }
0x4c: {  	v37 =	vld.idx.msk [tilespmem:v4+s31+$0xFFFFFF90 ss:$0x1], $0xffff  }
0x4d: {  	v38 =	vld.idx.msk [tilespmem:v5+s31+$0xFFFFFE80 ss:$0x1], $0xffff  }
0x4e: {  	v39 =	vld.idx.msk [tilespmem:v4+s31+$0xFFFFFE80 ss:$0x1], $0xffff  }
0x4f: {  	v40 =	vld.idx.msk [tilespmem:v5+s31+$0xFFFFFE70 ss:$0x1], $0xffff  }
0x50: {  	v41 =	vld.idx.msk [tilespmem:v4+s31+$0xFFFFFE70 ss:$0x1], $0xffff  }
0x51: {  	v42 =	vld.idx.msk [tilespmem:v5+s31+$0xFFFFFE60 ss:$0x1], $0xffff  }
0x52: {  	v43 =	vld.idx.msk [tilespmem:v4+s31+$0xFFFFFE60 ss:$0x1], $0xffff  }
0x53: {  	v44 =	vld.idx.msk [tilespmem:v5+s31+$0xFFFFFE50 ss:$0x1], $0xffff  }
0x54: {  	v45 =	vld.idx.msk [tilespmem:v4+s31+$0xFFFFFE50 ss:$0x1], $0xffff  }
0x55: {  	v46 =	vld.idx.msk [tilespmem:v5+s31+$0xFFFFFE40 ss:$0x1], $0xffff  }
0x56: {  	v47 =	vld.idx.msk [tilespmem:v4+s31+$0xFFFFFE40 ss:$0x1], $0xffff  }
0x57: {  	v48 =	vld.idx.msk [tilespmem:v5+s31+$0xFFFFFE30 ss:$0x1], $0xffff  }
0x58: {  	v49 =	vld.idx.msk [tilespmem:v4+s31+$0xFFFFFE30 ss:$0x1], $0xffff  }
0x59: {  	v50 =	vld.idx.msk [tilespmem:v5+s31+$0xFFFFFE20 ss:$0x1], $0xffff  }
0x5a: {  	v51 =	vld.idx.msk [tilespmem:v4+s31+$0xFFFFFE20 ss:$0x1], $0xffff  }
0x5b: {  	v52 =	vld.idx.msk [tilespmem:v5+s31+$0xFFFFFE10 ss:$0x1], $0xffff  }
0x5c: {  	v53 =	vld.idx.msk [tilespmem:v4+s31+$0xFFFFFE10 ss:$0x1], $0xffff  }
0x5d: {  	v54 =	vld.idx.msk [tilespmem:v5+s31+$0xFFFFFF80 ss:$0x1], $0xffff  }
0x5e: {  	v55 =	vld.idx.msk [tilespmem:v4+s31+$0xFFFFFF80 ss:$0x1], $0xffff  }
0x5f: {  	v56 =	vld.idx.msk [tilespmem:v5+s31+$0xFFFFFF70 ss:$0x1], $0xffff;
	v8 =	vmul.f32 v8, v9  }
0x60: {  	v57 =	vld.idx.msk [tilespmem:v4+s31+$0xFFFFFF70 ss:$0x1], $0xffff;
	v6 =	vmul.f32 v6, v7;
	v9 =	vmul.f32 v12, v13  }
0x61: {  	v7 =	vld.idx.msk [tilespmem:v5+s31+$0xFFFFFF60 ss:$0x1], $0xffff;
	v10 =	vmul.f32 v10, v11;
	v12 =	vmul.f32 v16, v17  }
0x62: {  	v11 =	vld.idx.msk [tilespmem:v4+s31+$0xFFFFFF60 ss:$0x1], $0xffff;
	v13 =	vmul.f32 v14, v15;
	v15 =	vmul.f32 v20, v21  }
0x63: {  	v14 =	vld.idx.msk [tilespmem:v5+s31+$0xFFFFFF50 ss:$0x1], $0xffff;
	v16 =	vmul.f32 v18, v19;
	v18 =	vmul.f32 v26, v27  }
0x64: {  	v17 =	vld.idx.msk [tilespmem:v4+s31+$0xFFFFFF50 ss:$0x1], $0xffff;
	v20 =	vmul.f32 v32, v33;
	v21 =	vmul.f32 v30, v31  }
0x65: {  	v19 =	vld.idx.msk [tilespmem:v4+s31+$0xFFFFFF30 ss:$0x1], $0xffff;
	v26 =	vmul.f32 v44, v45;
	v27 =	vmul.f32 v42, v43  }
0x66: {  	v30 =	vmul.f32 v50, v51;
	v9 =	vadd.f32 v10, v9;
	v6 =	vadd.f32 v6, v8;
	v8 =	vld.idx.msk [tilespmem:v5+s31+$0xFFFFFF40 ss:$0x1], $0xffff  }
0x67: {  	v10 =	vadd.f32 v16, v15;
	v12 =	vadd.f32 v13, v12;
	v13 =	vld.idx.msk [tilespmem:v4+s31+$0xFFFFFF40 ss:$0x1], $0xffff;
	v15 =	vmul.f32 v22, v23  }
0x68: {  	v16 =	vld.idx.msk [tilespmem:v5+s31+$0xFFFFFF30 ss:$0x1], $0xffff;
	v22 =	vmul.f32 v36, v37;
	v23 =	vmul.f32 v34, v35  }
0x69: {  	v20 =	vadd.f32 v21, v20;
	v21 =	vld.idx.msk [tilespmem:v5+s31+$0xFFFFFF10 ss:$0x1], $0xffff;
	v6 =	vadd.f32 v6, v9;
	v9 =	vmul.f32 v24, v25  }
0x6a: {  	v10 =	vadd.f32 v12, v10;
	v12 =	vmul.f32 v28, v29;
	v22 =	vadd.f32 v23, v22;
	v23 =	vld.idx.msk [tilespmem:v4+s31+$0xFFFFFF10 ss:$0x1], $0xffff  }
0x6b: {  	v24 =	vmul.f32 v40, v41;
	v25 =	vmul.f32 v38, v39;
	v9 =	vadd.f32 v15, v9;
	v15 =	vld.idx.msk [tilespmem:v5+s31+$0xFFFFFF20 ss:$0x1], $0xffff  }
0x6c: {  	v28 =	vmul.f32 v48, v49;
	v29 =	vmul.f32 v46, v47;
	v12 =	vadd.f32 v18, v12;
	v18 =	vld.idx.msk [tilespmem:v4+s31+$0xFFFFFF20 ss:$0x1], $0xffff  }
0x6d: {  	v26 =	vadd.f32 v27, v26;
	v14 =	vmul.f32 v14, v17;
	v7 =	vmul.f32 v7, v11  }
0x6e: {  	v20 =	vadd.f32 v20, v22;
	v22 =	vadd.f32 v25, v24;
	v24 =	vmul.f32 v56, v57  }
0x6f: {  	v25 =	vmul.f32 v54, v55;
	v11 =	vadd.f32 v29, v28;
	v16 =	vmul.f32 v16, v19  }
0x70: {  	v8 =	vmul.f32 v8, v13;
	v9 =	vadd.f32 v9, v12;
	v12 =	vmul.f32 v52, v53  }
0x71: {  	v7 =	vadd.f32 v7, v14;
	v13 =	vmul.f32 v21, v23;
	v15 =	vmul.f32 v15, v18  }
0x72: {  	v14 =	vadd.f32 v25, v24;
	v12 =	vadd.f32 v30, v12  }
0x73: {  	v8 =	vadd.f32 v8, v16;
	v13 =	vadd.f32 v15, v13  }
0x74: {  	v11 =	vadd.f32 v11, v12;
	v12 =	vadd.f32 v22, v26  }
0x75: {  	v7 =	vadd.f32 v14, v7;
	v8 =	vadd.f32 v8, v13  }
0x76: {  	v6 =	vadd.f32 v6, v10;
	v10 =	vadd.f32 v12, v11  }
0x77: {  	v9 =	vadd.f32 v9, v20;
	v7 =	vadd.f32 v7, v8  }
0x78: {  	v11 =	vperm.xlane v6, v0;
	v13 =	vperm.xlane v10, v0  }
0x79: {  	v8 =	vperm.xlane v9, v0;
	v12 =	vperm.xlane v7, v0  }
0x7a: {  	v9 =	vsel vm1, v11, v9  }
0x7b: {  	v6 =	vsel vm1, v6, v8;
	v7 =	vsel vm1, v13, v7;
	v8 =	vsel vm1, v10, v12  }
0x7c: {  	v6 =	vadd.f32 v9, v6;
	v7 =	vadd.f32 v7, v8;
	_ =	sdelay $0x1  }
0x7d: {  	v8 =	vperm.xlane v6, v3;
	v9 =	vperm.xlane v7, v3;
	_ =	sdelay $0x1  }
0x7e: {  	v7 =	vsel vm0, v7, v8;
	v6 =	vsel vm0, v9, v6  }
0x7f: {  	v6 =	vadd.f32 v6, v7;
	_ =	sdelay $0x1  }
0x80: {  	v7 =	vperm.xlane v6, v1;
	_ =	sdelay $0x1  }
0x81: {  	v6 =	vadd.f32 v6, v7;
	_ =	sdelay $0x1  }
0x82: {  	v7 =	vperm.xlane v6, v2;
	_ =	sdelay $0x1  }
0x83: {  	v6 =	vadd.f32 v6, v7;
	_ =	sdelay $0x1  }
0x84: {  	s25 =	simm.s32 $0x200;
	[tilespmem:s22+$0x0] =	vst.msk vm2, v6  }
0x85: {  	v23 =	vld.idx.msk [tilespmem:v5+s25+$0xFFFFFF00 ss:$0x1], $0xffff  }
0x86: {  	v24 =	vld.idx.msk [tilespmem:v4+s25+$0xFFFFFF00 ss:$0x1], $0xffff  }
0x87: {  	v25 =	vld.idx.msk [tilespmem:v5+s25+$0xFFFFFEF0 ss:$0x1], $0xffff  }
0x88: {  	v26 =	vld.idx.msk [tilespmem:v4+s25+$0xFFFFFEF0 ss:$0x1], $0xffff  }
0x89: {  	v27 =	vld.idx.msk [tilespmem:v5+s25+$0xFFFFFEE0 ss:$0x1], $0xffff  }
0x8a: {  	v28 =	vld.idx.msk [tilespmem:v4+s25+$0xFFFFFEE0 ss:$0x1], $0xffff  }
0x8b: {  	v29 =	vld.idx.msk [tilespmem:v5+s25+$0xFFFFFED0 ss:$0x1], $0xffff  }
0x8c: {  	v30 =	vld.idx.msk [tilespmem:v4+s25+$0xFFFFFED0 ss:$0x1], $0xffff  }
0x8d: {  	v31 =	vld.idx.msk [tilespmem:v5+s25+$0xFFFFFEC0 ss:$0x1], $0xffff  }
0x8e: {  	v32 =	vld.idx.msk [tilespmem:v4+s25+$0xFFFFFEC0 ss:$0x1], $0xffff  }
0x8f: {  	v33 =	vld.idx.msk [tilespmem:v5+s25+$0xFFFFFEB0 ss:$0x1], $0xffff  }
0x90: {  	v34 =	vld.idx.msk [tilespmem:v4+s25+$0xFFFFFEB0 ss:$0x1], $0xffff  }
0x91: {  	v35 =	vld.idx.msk [tilespmem:v5+s25+$0xFFFFFEA0 ss:$0x1], $0xffff  }
0x92: {  	v36 =	vld.idx.msk [tilespmem:v4+s25+$0xFFFFFEA0 ss:$0x1], $0xffff  }
0x93: {  	v37 =	vld.idx.msk [tilespmem:v5+s25+$0xFFFFFE90 ss:$0x1], $0xffff  }
0x94: {  	v63 =	vld.idx.msk [tilespmem:v4+s25+$0xFFFFFE90 ss:$0x1], $0xffff  }
0x95: {  	v39 =	vld.idx.msk [tilespmem:v5+s25+$0x0 ss:$0x1], $0xffff  }
0x96: {  	v40 =	vld.idx.msk [tilespmem:v4+s25+$0x0 ss:$0x1], $0xffff  }
0x97: {  	v41 =	vld.idx.msk [tilespmem:v5+s25+$0xFFFFFFF0 ss:$0x1], $0xffff  }
0x98: {  	v42 =	vld.idx.msk [tilespmem:v4+s25+$0xFFFFFFF0 ss:$0x1], $0xffff  }
0x99: {  	v43 =	vld.idx.msk [tilespmem:v5+s25+$0xFFFFFFE0 ss:$0x1], $0xffff  }
0x9a: {  	v44 =	vld.idx.msk [tilespmem:v4+s25+$0xFFFFFFE0 ss:$0x1], $0xffff  }
0x9b: {  	v60 =	vld.idx.msk [tilespmem:v5+s25+$0xFFFFFFD0 ss:$0x1], $0xffff  }
0x9c: {  	v61 =	vld.idx.msk [tilespmem:v4+s25+$0xFFFFFFD0 ss:$0x1], $0xffff  }
0x9d: {  	v47 =	vld.idx.msk [tilespmem:v5+s25+$0xFFFFFFC0 ss:$0x1], $0xffff  }
0x9e: {  	v48 =	vld.idx.msk [tilespmem:v4+s25+$0xFFFFFFC0 ss:$0x1], $0xffff  }
0x9f: {  	v49 =	vld.idx.msk [tilespmem:v5+s25+$0xFFFFFFB0 ss:$0x1], $0xffff  }
0xa0: {  	v62 =	vld.idx.msk [tilespmem:v4+s25+$0xFFFFFFB0 ss:$0x1], $0xffff  }
0xa1: {  	v51 =	vld.idx.msk [tilespmem:v5+s25+$0xFFFFFFA0 ss:$0x1], $0xffff  }
0xa2: {  	v52 =	vld.idx.msk [tilespmem:v4+s25+$0xFFFFFFA0 ss:$0x1], $0xffff  }
0xa3: {  	v53 =	vld.idx.msk [tilespmem:v5+s25+$0xFFFFFF90 ss:$0x1], $0xffff  }
0xa4: {  	v54 =	vld.idx.msk [tilespmem:v4+s25+$0xFFFFFF90 ss:$0x1], $0xffff  }
0xa5: {  	v55 =	vld.idx.msk [tilespmem:v5+s25+$0xFFFFFE80 ss:$0x1], $0xffff  }
0xa6: {  	v56 =	vld.idx.msk [tilespmem:v4+s25+$0xFFFFFE80 ss:$0x1], $0xffff  }
0xa7: {  	v57 =	vld.idx.msk [tilespmem:v5+s25+$0xFFFFFE70 ss:$0x1], $0xffff  }
0xa8: {  	v58 =	vld.idx.msk [tilespmem:v4+s25+$0xFFFFFE70 ss:$0x1], $0xffff  }
0xa9: {  	v6 =	vld.idx.msk [tilespmem:v5+s25+$0xFFFFFE60 ss:$0x1], $0xffff  }
0xaa: {  	v7 =	vld.idx.msk [tilespmem:v4+s25+$0xFFFFFE60 ss:$0x1], $0xffff  }
0xab: {  	v10 =	vld.idx.msk [tilespmem:v5+s25+$0xFFFFFE50 ss:$0x1], $0xffff  }
0xac: {  	v12 =	vld.idx.msk [tilespmem:v4+s25+$0xFFFFFE50 ss:$0x1], $0xffff  }
0xad: {  	v8 =	vld.idx.msk [tilespmem:v5+s25+$0xFFFFFE40 ss:$0x1], $0xffff  }
0xae: {  	v9 =	vld.idx.msk [tilespmem:v4+s25+$0xFFFFFE40 ss:$0x1], $0xffff  }
0xaf: {  	v13 =	vld.idx.msk [tilespmem:v5+s25+$0xFFFFFE30 ss:$0x1], $0xffff  }
0xb0: {  	v16 =	vld.idx.msk [tilespmem:v4+s25+$0xFFFFFE30 ss:$0x1], $0xffff  }
0xb1: {  	v11 =	vld.idx.msk [tilespmem:v5+s25+$0xFFFFFE20 ss:$0x1], $0xffff  }
0xb2: {  	v14 =	vld.idx.msk [tilespmem:v4+s25+$0xFFFFFE20 ss:$0x1], $0xffff  }
0xb3: {  	v18 =	vld.idx.msk [tilespmem:v5+s25+$0xFFFFFE10 ss:$0x1], $0xffff  }
0xb4: {  	v20 =	vld.idx.msk [tilespmem:v4+s25+$0xFFFFFE10 ss:$0x1], $0xffff  }
0xb5: {  	v15 =	vld.idx.msk [tilespmem:v5+s25+$0xFFFFFF80 ss:$0x1], $0xffff  }
0xb6: {  	v17 =	vld.idx.msk [tilespmem:v4+s25+$0xFFFFFF80 ss:$0x1], $0xffff  }
0xb7: {  	v21 =	vld.idx.msk [tilespmem:v5+s25+$0xFFFFFF70 ss:$0x1], $0xffff  }
0xb8: {  	v22 =	vld.idx.msk [tilespmem:v4+s25+$0xFFFFFF70 ss:$0x1], $0xffff  }
0xb9: {  	v19 =	vld.idx.msk [tilespmem:v5+s25+$0xFFFFFF60 ss:$0x1], $0xffff;
	v26 =	vmul.f32 v25, v26;
	v24 =	vmul.f32 v23, v24  }
0xba: {  	v23 =	vld.idx.msk [tilespmem:v4+s25+$0xFFFFFF60 ss:$0x1], $0xffff;
	v29 =	vmul.f32 v29, v30;
	v30 =	vmul.f32 v27, v28  }
0xbb: {  	v25 =	vld.idx.msk [tilespmem:v5+s25+$0xFFFFFF50 ss:$0x1], $0xffff;
	v33 =	vmul.f32 v33, v34;
	v31 =	vmul.f32 v31, v32  }
0xbc: {  	v28 =	vld.idx.msk [tilespmem:v4+s25+$0xFFFFFF50 ss:$0x1], $0xffff;
	v63 =	vmul.f32 v37, v63;
	v36 =	vmul.f32 v35, v36  }
0xbd: {  	v27 =	vld.idx.msk [tilespmem:v5+s25+$0xFFFFFF40 ss:$0x1], $0xffff;
	v59 =	vmul.f32 v39, v40;
	v60 =	vmul.f32 v60, v61  }
0xbe: {  	v61 =	vmul.f32 v43, v44;
	v32 =	vld.idx.msk [tilespmem:v5+s25+$0xFFFFFF20 ss:$0x1], $0xffff;
	v62 =	vmul.f32 v49, v62  }
0xbf: {  	v40 =	vmul.f32 v53, v54;
	v34 =	vld.idx.msk [tilespmem:v5+s25+$0xFFFFFF10 ss:$0x1], $0xffff;
	v37 =	vadd.f32 v30, v29;
	v24 =	vadd.f32 v24, v26  }
0xc0: {  	v29 =	vld.idx.msk [tilespmem:v4+s25+$0xFFFFFF40 ss:$0x1], $0xffff;
	v26 =	vadd.f32 v36, v63;
	v38 =	vadd.f32 v31, v33;
	v33 =	vmul.f32 v41, v42  }
0xc1: {  	v30 =	vld.idx.msk [tilespmem:v5+s25+$0xFFFFFF30 ss:$0x1], $0xffff;
	v63 =	vmul.f32 v47, v48;
	v41 =	vmul.f32 v51, v52;
	v24 =	vadd.f32 v24, v37  }
0xc2: {  	v31 =	vld.idx.msk [tilespmem:v4+s25+$0xFFFFFF30 ss:$0x1], $0xffff;
	v36 =	vmul.f32 v57, v58;
	v26 =	vadd.f32 v38, v26;
	v35 =	vadd.f32 v59, v33  }
0xc3: {  	s26 =	simm.s32 $0x1000;
	s24 =	smov.u32 s22;
	v33 =	vld.idx.msk [tilespmem:v4+s25+$0xFFFFFF20 ss:$0x1], $0xffff;
	v38 =	vadd.f32 v61, v60;
	v37 =	vmul.f32 v55, v56;
	v39 =	vadd.f32 v63, v62  }
.LBB2_3:
0xc4: {  	p0 =	sne.s32 s26, $0x7800;
	v10 =	vmul.f32 v10, v12;
	v6 =	vmul.f32 v6, v7;
	v7 =	vld.idx.msk [tilespmem:v4+s25+$0xFFFFFF10 ss:$0x1], $0xffff;
	v12 =	vadd.f32 v41, v40  }
0xc5: {  	v13 =	vmul.f32 v13, v16;
	v8 =	vmul.f32 v8, v9;
	v9 =	vadd.f32 v35, v38  }
0xc6: {  	v16 =	vmul.f32 v18, v20;
	v11 =	vmul.f32 v11, v14;
	v12 =	vadd.f32 v39, v12  }
0xc7: {  	v18 =	vmul.f32 v21, v22;
	v15 =	vmul.f32 v15, v17;
	v14 =	vadd.f32 v37, v36  }
0xc8: {  	v17 =	vmul.f32 v19, v23;
	v6 =	vadd.f32 v6, v10;
	v10 =	vmul.f32 v25, v28  }
0xc9: {  	v19 =	vmul.f32 v27, v29;
	v8 =	vadd.f32 v8, v13;
	v13 =	vmul.f32 v30, v31  }
0xca: {  	v11 =	vadd.f32 v11, v16;
	v16 =	vmul.f32 v32, v33;
	v7 =	vmul.f32 v34, v7  }
0xcb: {  	v15 =	vadd.f32 v15, v18;
	v10 =	vadd.f32 v17, v10  }
0xcc: {  	v13 =	vadd.f32 v19, v13;
	v7 =	vadd.f32 v16, v7  }
0xcd: {  	v8 =	vadd.f32 v8, v11;
	v6 =	vadd.f32 v14, v6  }
0xce: {  	v10 =	vadd.f32 v15, v10;
	v7 =	vadd.f32 v13, v7  }
0xcf: {  	v11 =	vadd.f32 v24, v26;
	v9 =	vadd.f32 v9, v12  }
0xd0: {  	v6 =	vadd.f32 v6, v8;
	v7 =	vadd.f32 v10, v7  }
0xd1: {  	v8 =	vperm.xlane v9, v0;
	v10 =	vperm.xlane v11, v0  }
0xd2: {  	v13 =	vperm.xlane v6, v0;
	v12 =	vperm.xlane v7, v0  }
0xd3: {  	v8 =	vsel vm1, v11, v8  }
0xd4: {  	v7 =	vsel vm1, v13, v7;
	v9 =	vsel vm1, v10, v9;
	v6 =	vsel vm1, v6, v12  }
0xd5: {  	v6 =	vadd.f32 v7, v6;
	v7 =	vadd.f32 v9, v8;
	_ =	sdelay $0x1  }
0xd6: {  	v8 =	vperm.xlane v7, v3;
	v9 =	vperm.xlane v6, v3;
	_ =	sdelay $0x1  }
0xd7: {  	v6 =	vsel vm0, v6, v8;
	v7 =	vsel vm0, v9, v7  }
0xd8: {  	v6 =	vadd.f32 v7, v6;
	_ =	sdelay $0x1  }
0xd9: {  	v7 =	vperm.xlane v6, v1;
	_ =	sdelay $0x1  }
0xda: {  	v6 =	vadd.f32 v6, v7;
	_ =	sdelay $0x1  }
0xdb: {  	v7 =	vperm.xlane v6, v2;
	_ =	sdelay $0x1  }
0xdc: {  	v6 =	vadd.f32 v6, v7  }
0xdd: {  	s24 =	sadd.s32 $0x4, s24  }
0xde: {  	s25 =	sshra.s32 s26, $0x2;
	[tilespmem:s24+$0x0] =	vst.msk vm2, v6  }
0xdf: {  	v23 =	vld.idx.msk [tilespmem:v5+s25+$0xFFFFFF00 ss:$0x1], $0xffff  }
0xe0: {  	v24 =	vld.idx.msk [tilespmem:v4+s25+$0xFFFFFF00 ss:$0x1], $0xffff  }
0xe1: {  	v25 =	vld.idx.msk [tilespmem:v5+s25+$0xFFFFFEF0 ss:$0x1], $0xffff  }
0xe2: {  	v26 =	vld.idx.msk [tilespmem:v4+s25+$0xFFFFFEF0 ss:$0x1], $0xffff  }
0xe3: {  	v27 =	vld.idx.msk [tilespmem:v5+s25+$0xFFFFFEE0 ss:$0x1], $0xffff  }
0xe4: {  	v28 =	vld.idx.msk [tilespmem:v4+s25+$0xFFFFFEE0 ss:$0x1], $0xffff  }
0xe5: {  	v29 =	vld.idx.msk [tilespmem:v5+s25+$0xFFFFFED0 ss:$0x1], $0xffff  }
0xe6: {  	v30 =	vld.idx.msk [tilespmem:v4+s25+$0xFFFFFED0 ss:$0x1], $0xffff  }
0xe7: {  	v31 =	vld.idx.msk [tilespmem:v5+s25+$0xFFFFFEC0 ss:$0x1], $0xffff  }
0xe8: {  	v32 =	vld.idx.msk [tilespmem:v4+s25+$0xFFFFFEC0 ss:$0x1], $0xffff  }
0xe9: {  	v33 =	vld.idx.msk [tilespmem:v5+s25+$0xFFFFFEB0 ss:$0x1], $0xffff  }
0xea: {  	v34 =	vld.idx.msk [tilespmem:v4+s25+$0xFFFFFEB0 ss:$0x1], $0xffff  }
0xeb: {  	v35 =	vld.idx.msk [tilespmem:v5+s25+$0xFFFFFEA0 ss:$0x1], $0xffff  }
0xec: {  	v36 =	vld.idx.msk [tilespmem:v4+s25+$0xFFFFFEA0 ss:$0x1], $0xffff  }
0xed: {  	v37 =	vld.idx.msk [tilespmem:v5+s25+$0xFFFFFE90 ss:$0x1], $0xffff  }
0xee: {  	v38 =	vld.idx.msk [tilespmem:v4+s25+$0xFFFFFE90 ss:$0x1], $0xffff  }
0xef: {  	v39 =	vld.idx.msk [tilespmem:v5+s25+$0x0 ss:$0x1], $0xffff  }
0xf0: {  	v40 =	vld.idx.msk [tilespmem:v4+s25+$0x0 ss:$0x1], $0xffff  }
0xf1: {  	v41 =	vld.idx.msk [tilespmem:v5+s25+$0xFFFFFFF0 ss:$0x1], $0xffff  }
0xf2: {  	v42 =	vld.idx.msk [tilespmem:v4+s25+$0xFFFFFFF0 ss:$0x1], $0xffff  }
0xf3: {  	v43 =	vld.idx.msk [tilespmem:v5+s25+$0xFFFFFFE0 ss:$0x1], $0xffff  }
0xf4: {  	v44 =	vld.idx.msk [tilespmem:v4+s25+$0xFFFFFFE0 ss:$0x1], $0xffff  }
0xf5: {  	v45 =	vld.idx.msk [tilespmem:v5+s25+$0xFFFFFFD0 ss:$0x1], $0xffff  }
0xf6: {  	v46 =	vld.idx.msk [tilespmem:v4+s25+$0xFFFFFFD0 ss:$0x1], $0xffff  }
0xf7: {  	v47 =	vld.idx.msk [tilespmem:v5+s25+$0xFFFFFFC0 ss:$0x1], $0xffff  }
0xf8: {  	v48 =	vld.idx.msk [tilespmem:v4+s25+$0xFFFFFFC0 ss:$0x1], $0xffff  }
0xf9: {  	v49 =	vld.idx.msk [tilespmem:v5+s25+$0xFFFFFFB0 ss:$0x1], $0xffff  }
0xfa: {  	v50 =	vld.idx.msk [tilespmem:v4+s25+$0xFFFFFFB0 ss:$0x1], $0xffff  }
0xfb: {  	v51 =	vld.idx.msk [tilespmem:v5+s25+$0xFFFFFFA0 ss:$0x1], $0xffff  }
0xfc: {  	v52 =	vld.idx.msk [tilespmem:v4+s25+$0xFFFFFFA0 ss:$0x1], $0xffff  }
0xfd: {  	v53 =	vld.idx.msk [tilespmem:v5+s25+$0xFFFFFF90 ss:$0x1], $0xffff  }
0xfe: {  	v54 =	vld.idx.msk [tilespmem:v4+s25+$0xFFFFFF90 ss:$0x1], $0xffff  }
0xff: {  	v55 =	vld.idx.msk [tilespmem:v5+s25+$0xFFFFFE80 ss:$0x1], $0xffff  }
0x100: {  	v56 =	vld.idx.msk [tilespmem:v4+s25+$0xFFFFFE80 ss:$0x1], $0xffff  }
0x101: {  	v57 =	vld.idx.msk [tilespmem:v5+s25+$0xFFFFFE70 ss:$0x1], $0xffff  }
0x102: {  	v58 =	vld.idx.msk [tilespmem:v4+s25+$0xFFFFFE70 ss:$0x1], $0xffff  }
0x103: {  	v6 =	vld.idx.msk [tilespmem:v5+s25+$0xFFFFFE60 ss:$0x1], $0xffff  }
0x104: {  	v7 =	vld.idx.msk [tilespmem:v4+s25+$0xFFFFFE60 ss:$0x1], $0xffff  }
0x105: {  	v10 =	vld.idx.msk [tilespmem:v5+s25+$0xFFFFFE50 ss:$0x1], $0xffff  }
0x106: {  	v12 =	vld.idx.msk [tilespmem:v4+s25+$0xFFFFFE50 ss:$0x1], $0xffff  }
0x107: {  	v8 =	vld.idx.msk [tilespmem:v5+s25+$0xFFFFFE40 ss:$0x1], $0xffff  }
0x108: {  	v9 =	vld.idx.msk [tilespmem:v4+s25+$0xFFFFFE40 ss:$0x1], $0xffff  }
0x109: {  	v13 =	vld.idx.msk [tilespmem:v5+s25+$0xFFFFFE30 ss:$0x1], $0xffff  }
0x10a: {  	v16 =	vld.idx.msk [tilespmem:v4+s25+$0xFFFFFE30 ss:$0x1], $0xffff  }
0x10b: {  	v11 =	vld.idx.msk [tilespmem:v5+s25+$0xFFFFFE20 ss:$0x1], $0xffff  }
0x10c: {  	v14 =	vld.idx.msk [tilespmem:v4+s25+$0xFFFFFE20 ss:$0x1], $0xffff  }
0x10d: {  	v18 =	vld.idx.msk [tilespmem:v5+s25+$0xFFFFFE10 ss:$0x1], $0xffff  }
0x10e: {  	v20 =	vld.idx.msk [tilespmem:v4+s25+$0xFFFFFE10 ss:$0x1], $0xffff  }
0x10f: {  	v15 =	vld.idx.msk [tilespmem:v5+s25+$0xFFFFFF80 ss:$0x1], $0xffff  }
0x110: {  	v17 =	vld.idx.msk [tilespmem:v4+s25+$0xFFFFFF80 ss:$0x1], $0xffff  }
0x111: {  	v21 =	vld.idx.msk [tilespmem:v5+s25+$0xFFFFFF70 ss:$0x1], $0xffff  }
0x112: {  	v22 =	vld.idx.msk [tilespmem:v4+s25+$0xFFFFFF70 ss:$0x1], $0xffff  }
0x113: {  	v24 =	vmul.f32 v23, v24;
	v26 =	vmul.f32 v25, v26;
	v19 =	vld.idx.msk [tilespmem:v5+s25+$0xFFFFFF60 ss:$0x1], $0xffff  }
0x114: {  	v29 =	vmul.f32 v29, v30;
	v30 =	vmul.f32 v27, v28;
	v23 =	vld.idx.msk [tilespmem:v4+s25+$0xFFFFFF60 ss:$0x1], $0xffff  }
0x115: {  	v31 =	vmul.f32 v31, v32;
	v33 =	vmul.f32 v33, v34;
	v25 =	vld.idx.msk [tilespmem:v5+s25+$0xFFFFFF50 ss:$0x1], $0xffff  }
0x116: {  	v34 =	vmul.f32 v35, v36;
	v32 =	vmul.f32 v37, v38;
	v28 =	vld.idx.msk [tilespmem:v4+s25+$0xFFFFFF50 ss:$0x1], $0xffff  }
0x117: {  	v24 =	vadd.f32 v24, v26;
	v35 =	vadd.f32 v30, v29;
	v27 =	vld.idx.msk [tilespmem:v5+s25+$0xFFFFFF40 ss:$0x1], $0xffff  }
0x118: {  	v26 =	vadd.f32 v34, v32;
	v32 =	vadd.f32 v31, v33;
	v29 =	vld.idx.msk [tilespmem:v4+s25+$0xFFFFFF40 ss:$0x1], $0xffff  }
.Ltmp0:
0x119: {  	v24 =	vadd.f32 v24, v35;
	v34 =	vmul.f32 v39, v40;
	v33 =	vmul.f32 v41, v42;
	v30 =	vld.idx.msk [tilespmem:v5+s25+$0xFFFFFF30 ss:$0x1], $0xffff;
	(pc) =	sbr.rel @p0 .LBB2_3-.Ltmp0, $4  }
0x11a: {  	v26 =	vadd.f32 v32, v26;
	v37 =	vmul.f32 v43, v44;
	v36 =	vmul.f32 v45, v46;
	v31 =	vld.idx.msk [tilespmem:v4+s25+$0xFFFFFF30 ss:$0x1], $0xffff  }
0x11b: {  	v35 =	vadd.f32 v34, v33;
	v42 =	vmul.f32 v47, v48;
	v39 =	vmul.f32 v49, v50;
	v32 =	vld.idx.msk [tilespmem:v5+s25+$0xFFFFFF20 ss:$0x1], $0xffff  }
0x11c: {  	v38 =	vadd.f32 v37, v36;
	v41 =	vmul.f32 v51, v52;
	v40 =	vmul.f32 v53, v54;
	v33 =	vld.idx.msk [tilespmem:v4+s25+$0xFFFFFF20 ss:$0x1], $0xffff  }
0x11d: {  	s26 =	sadd.s32 $0x800, s26;
	v39 =	vadd.f32 v42, v39;
	v37 =	vmul.f32 v55, v56;
	v36 =	vmul.f32 v57, v58;
	v34 =	vld.idx.msk [tilespmem:v5+s25+$0xFFFFFF10 ss:$0x1], $0xffff  }
0x11e: {  	_ =	sdelay $0x1  }
0x11f: {  	v5 =	vmul.f32 v10, v12;
	v6 =	vmul.f32 v6, v7  }
0x120: {  	v48 =	vmul.f32 v13, v16;
	v8 =	vmul.f32 v8, v9  }
0x121: {  	v4 =	vld.idx.msk [tilespmem:v4+s25+$0xFFFFFF10 ss:$0x1], $0xffff;
	v50 =	vmul.f32 v18, v20;
	v11 =	vmul.f32 v11, v14  }
0x122: {  	v47 =	vadd.f32 v41, v40;
	v52 =	vmul.f32 v21, v22;
	v15 =	vmul.f32 v15, v17  }
0x123: {  	v49 =	vadd.f32 v35, v38;
	v53 =	vmul.f32 v25, v28;
	v54 =	vmul.f32 v19, v23  }
0x124: {  	v56 =	vmul.f32 v27, v29;
	v51 =	vadd.f32 v37, v36;
	v7 =	vadd.f32 v39, v47  }
0x125: {  	v55 =	vmul.f32 v30, v31;
	v5 =	vadd.f32 v6, v5;
	v8 =	vadd.f32 v8, v48  }
0x126: {  	v11 =	vadd.f32 v11, v50;
	v57 =	vmul.f32 v32, v33;
	v4 =	vmul.f32 v34, v4  }
0x127: {  	v6 =	vadd.f32 v54, v53;
	v14 =	vadd.f32 v15, v52  }
0x128: {  	v10 =	vadd.f32 v56, v55;
	v4 =	vadd.f32 v57, v4  }
0x129: {  	v8 =	vadd.f32 v8, v11;
	v5 =	vadd.f32 v51, v5  }
0x12a: {  	v6 =	vadd.f32 v14, v6;
	v4 =	vadd.f32 v10, v4  }
0x12b: {  	v58 =	vadd.f32 v24, v26;
	v7 =	vadd.f32 v49, v7  }
0x12c: {  	v5 =	vadd.f32 v5, v8;
	v4 =	vadd.f32 v6, v4  }
0x12d: {  	v60 =	vperm.xlane v58, v0;
	v59 =	vperm.xlane v7, v0  }
0x12e: {  	v62 =	vperm.xlane v5, v0;
	v61 =	vperm.xlane v4, v0  }
0x12f: {  	v7 =	vsel vm1, v60, v7  }
0x130: {  	v6 =	vsel vm1, v58, v59;
	v4 =	vsel vm1, v62, v4;
	v5 =	vsel vm1, v5, v61  }
0x131: {  	v4 =	vadd.f32 v4, v5;
	v5 =	vadd.f32 v7, v6;
	_ =	sdelay $0x1  }
0x132: {  	v6 =	vperm.xlane v5, v3;
	v63 =	vperm.xlane v4, v3;
	_ =	sdelay $0x1  }
0x133: {  	v4 =	vsel vm0, v4, v6;
	v5 =	vsel vm0, v63, v5  }
0x134: {  	v4 =	vadd.f32 v5, v4;
	_ =	sdelay $0x1  }
0x135: {  	v5 =	vperm.xlane v4, v1;
	_ =	sdelay $0x1  }
0x136: {  	s23 =	sadd.s32 $0x1, s23;
	v4 =	vadd.f32 v4, v5  }
0x137: {  	p0 =	sne.s32 s23, $0x8  }
.Ltmp1:
0x138: {  	v5 =	vperm.xlane v4, v2;
	(pc) =	sbr.rel @p0 .LBB2_2-.Ltmp1, $4  }
0x139: {  	_ = 	snop  }
0x13a: {  	v4 =	vadd.f32 v4, v5  }
0x13b: {  	s24 =	sadd.s32 $0x4, s24  }
0x13c: {  	s22 =	sadd.s32 $0x40, s22;
	s21 =	sadd.s32 $0x1, s21;
	[tilespmem:s24+$0x0] =	vst.msk vm2, v4  }
0x13d: {  	s20 =	sadd.s32 $0x1, s20  }
0x13e: {  	p0 =	sne.s32 s20, s8  }
.Ltmp2:
0x13f: {  	_ = 	snop;
	(pc) =	sbr.rel @p0 .LBB2_1-.Ltmp2, $4  }
0x140: {  	[hbm4b:s7+s4] =	stream.linear.scatter [tilespmem:s18], [sflag:$0x5], $0x200, $0x38;
	[tilespmem:$0x10680] =	vst v63  }
0x141: {  	_ =	swait.ge [sflag:s19], $0x200  }
0x142: {  	[sflag:s19] =	ssyncset.done $0x0  }
0x143: {  	[sflag:s19] =	ssyncadd.s32 $0xFFFFFE00  }
0x144: {  	_ =	sfence.sel $0x180000  }
0x145: {  	[bflag:$0x0] =	sbarrier.arrive $0xFFFF  }
0x146: {  	p0 =	sne.s32 s3, $0x0;
	_ =	strace $0x90000047  }
0x147: {  	s0 =	sadd.s32 @!p0 $0x100000, s2;
	[bflag:$0x2] =	sbarrier.arrive $0xFFFF  }
0x148: {  	[sflag:s0] =	ssyncadd.tile.s32 @!p0 $0x1;
	_ =	shalt  }
.Lfunc_end2:
_tile_overlayer_lowered:
.L_overlay_start_2:
0x149: {  	(tag) =	ssettag $0x2  }
0x14a: {  	s0 =	rddreg [dreg:$0x0];
	s2 =	stileid.u32  }
0x14b: {  	s1 =	rddreg [dreg:$0x1];
	p0 =	sne.s32 s2, $0x0  }
0x14c: {  	s3 =	rddreg [dreg:$0x2];
	[bflag:$0x3] =	sbarrier.arrive $0xFFFF;
	s2 =	simm.s32 @!p0 $0x1C05  }
0x14d: {  	[timem:s3], [sflag:s2] =	dma.local @!p0 [hbm:s0], s1  }
0x14e: {  	s0 =	simm.s32 @!p0 $0x5  }
0x14f: {  	_ =	swait.ge @!p0 [sflag:s0], s1  }
0x150: {  	s1 =	ssub.s32 @!p0 $0x0, s1;
	[sflag:s0] =	ssyncset.done @!p0 $0x0  }
0x151: {  	[sflag:s0] =	ssyncadd.s32 @!p0 s1  }
0x152: {  	[bflag:$0x3] =	sbarrier.arrive $0xFFFF  }
0x153: {  	_ =	shalt  }

</sc_bundles>
